<compile_context>
chip_gen: v7x
topology: tpu7x:2x2x1
jax: 0.10.2.dev20260603
libtpu: 0.0.44.dev20260713+nightly
codegen_flags: <defaults>
</compile_context>

<pallas_src>
import functools

import jax
import jax.numpy as jnp
from jax import lax
from jax.experimental import pallas as pl
from jax.experimental.pallas import tpu as pltpu
from jax.experimental.pallas import tpu_sc as plsc

_PREC = jax.lax.Precision.DEFAULT
B, L = 4096, 50
EMB, HID = 32, 64
NT = 5
XW = NT * EMB
LB = L * B

NC, NS = 2, 16
NW = NC * NS
ROWS_PER_W = LB // NW
GCHUNK = 128
NCHUNK = ROWS_PER_W // GCHUNK


def _sc_gather_body(t0, t1, t2, t3, t4, i0, i1, i2, i3, i4,
                    out, idx_v, rows_v, sem):
    tables = (t0, t1, t2, t3, t4)
    idxs = (i0, i1, i2, i3, i4)
    wid = lax.axis_index("s") * NC + lax.axis_index("c")
    base = wid * ROWS_PER_W
    for k in range(NT):
        pltpu.sync_copy(idxs[k].at[wid], idx_v.at[k])

    def chunk(c, carry):
        off = base + c * GCHUNK
        cps = []
        for k in range(NT):
            cps.append(pltpu.async_copy(
                tables[k].at[idx_v.at[k, c]], rows_v.at[k], sem))
        for cp in cps:
            cp.wait()
        for k in range(NT):
            pltpu.sync_copy(
                rows_v.at[k],
                out.at[pl.ds(off, GCHUNK), pl.ds(k * EMB, EMB)])
        return carry

    lax.fori_loop(0, NCHUNK, chunk, 0, unroll=False)


def _sc_gather(tables, idx_lists):
    mesh = plsc.VectorSubcoreMesh(core_axis_name="c", subcore_axis_name="s",
                                  num_cores=NC, num_subcores=NS)
    call = pl.kernel(
        _sc_gather_body,
        out_type=jax.ShapeDtypeStruct((LB, XW), jnp.bfloat16),
        mesh=mesh,
        compiler_params=pltpu.CompilerParams(use_tc_tiling_on_sc=False),
        scratch_types=[
            pltpu.VMEM((NT, NCHUNK, GCHUNK), jnp.int32),
            pltpu.VMEM((NT, GCHUNK, EMB), jnp.bfloat16),
            pltpu.SemaphoreType.DMA,
        ],
    )
    return call(*tables, *idx_lists)


def _gru_step_body(x, tg, Wx, u, Wh, bc,
                   fc1_W, fc1_b, fc2_W, fc2_b, out_ref, h_ref):
    t = pl.program_id(0)

    @pl.when(t == 0)
    def _():
        h_ref[...] = jnp.zeros_like(h_ref)

    h = h_ref[...]
    dn = (((1,), (1,)), ((), ()))
    mm = functools.partial(lax.dot_general, dimension_numbers=dn,
                           preferred_element_type=jnp.float32,
                           precision=_PREC)
    o = (mm(x[0], Wx[...]) + tg[0] * u[...]
         + mm(h.astype(jnp.bfloat16), Wh[...]) + bc[...])
    rz = jax.nn.sigmoid(o[:, :2 * HID])
    r = rz[:, :HID]
    z = rz[:, HID:]
    n = jnp.tanh(o[:, 2 * HID:3 * HID] + r * o[:, 3 * HID:])
    h_new = n + z * (h - n)
    h_ref[...] = h_new

    @pl.when(t == L - 1)
    def _():
        o1 = jax.nn.relu(mm(h_new, fc1_W[...]) + fc1_b[...])
        o2 = jnp.sum(o1 * fc2_W[...], axis=1, keepdims=True) + fc2_b[0, 0]
        out_ref[...] = jax.nn.sigmoid(o2)


def _gru_tc(x, tg, Wx, u, Wh, bc, fc1_W, fc1_b, fc2_W, fc2_b,
            interpret=False):
    blk = lambda w: pl.BlockSpec((1, B, w), lambda t: (t, 0, 0))
    wspec = lambda shape: pl.BlockSpec(shape, lambda t: tuple(0 for _ in shape))
    return pl.pallas_call(
        _gru_step_body,
        grid=(L,),
        in_specs=[blk(XW), blk(1)] + [
            wspec((4 * HID, XW)), wspec((1, 4 * HID)),
            wspec((4 * HID, HID)), wspec((1, 4 * HID)),
            wspec((EMB, HID)), wspec((1, EMB)),
            wspec((1, EMB)), wspec((1, 1)),
        ],
        out_specs=pl.BlockSpec((B, 1), lambda t: (0, 0)),
        out_shape=jax.ShapeDtypeStruct((B, 1), jnp.float32),
        scratch_shapes=[pltpu.VMEM((B, HID), jnp.float32)],
        interpret=interpret,
    )(x, tg, Wx, u, Wh, bc, fc1_W, fc1_b, fc2_W, fc2_b)


def kernel(seq, time_gap, item_emb, cate_emb, brand_emb, merchant_emb,
           action_emb, time_W, time_b, W_ih, W_hh, b_ih, b_hh,
           fc1_W, fc1_b, fc2_W, fc2_b):
    seq_t = jnp.transpose(seq, (1, 0, 2))
    idx_lists = [
        seq_t[:, :, k].reshape(NW, NCHUNK, GCHUNK) for k in range(NT)
    ]
    tables = tuple(t[:1024].astype(jnp.bfloat16)
                   for t in (item_emb, cate_emb, brand_emb,
                             merchant_emb, action_emb))
    x = _sc_gather(tables, idx_lists).reshape(L, B, XW)

    tg = jnp.transpose(time_gap, (1, 0)).reshape(L, B, 1)

    pad0 = lambda w: jnp.concatenate(
        [w, jnp.zeros((HID, w.shape[1]), w.dtype)], axis=0)
    Wx = pad0(W_ih[:, :XW]).astype(jnp.bfloat16)
    Wtf = pad0(W_ih[:, XW:])
    u = (Wtf @ time_W.reshape(EMB)).reshape(1, 4 * HID)
    Wh = jnp.concatenate(
        [W_hh[:2 * HID], jnp.zeros((HID, HID), W_hh.dtype),
         W_hh[2 * HID:]], axis=0).astype(jnp.bfloat16)
    bc = (jnp.concatenate([
        b_ih[:2 * HID] + b_hh[:2 * HID], b_ih[2 * HID:], b_hh[2 * HID:],
    ]) + Wtf @ time_b).reshape(1, 4 * HID)

    out = _gru_tc(x, tg, Wx, u, Wh, bc,
                  fc1_W, fc1_b.reshape(1, EMB), fc2_W, fc2_b.reshape(1, 1))
    return out.reshape(B)

# --- scband reference (transcript-rebuilt; emitter-appended) ---
"""Pipeline reference for scband-grurec-model-16690242912332 (READ-ONLY COPY).

The authoritative reference and input builder live on the scoring server;
editing this copy changes nothing except your own understanding.
"""

import jax, jax.numpy as jnp
import numpy as np

B, L = 4096, 50
EMB, HID = 32, 64
INP = EMB * 6


def setup_inputs(seed: int = 0) -> dict:
    key = jax.random.key(seed)
    ks = jax.random.split(key, 16)
    d = {}
    d["seq"] = jax.random.randint(ks[0], (B, L, 5), 0, 1000, dtype=jnp.int32)
    d["time_gap"] = jax.random.uniform(ks[1], (B, L), dtype=jnp.float32)
    d["item_emb"] = jax.random.normal(ks[2], (1000000, EMB), dtype=jnp.float32) * 0.02
    d["cate_emb"] = jax.random.normal(ks[3], (1000, EMB), dtype=jnp.float32) * 0.02
    d["brand_emb"] = jax.random.normal(ks[4], (100000, EMB), dtype=jnp.float32) * 0.02
    d["merchant_emb"] = jax.random.normal(ks[5], (100000, EMB), dtype=jnp.float32) * 0.02
    d["action_emb"] = jax.random.normal(ks[6], (1000, EMB), dtype=jnp.float32) * 0.02
    d["time_W"] = jax.random.normal(ks[7], (EMB, 1), dtype=jnp.float32) * 0.02
    d["time_b"] = jnp.zeros((EMB,), dtype=jnp.float32)
    d["W_ih"] = jax.random.normal(ks[8], (3 * HID, INP), dtype=jnp.float32) * 0.05
    d["W_hh"] = jax.random.normal(ks[9], (3 * HID, HID), dtype=jnp.float32) * 0.05
    d["b_ih"] = jnp.zeros((3 * HID,), dtype=jnp.float32)
    d["b_hh"] = jnp.zeros((3 * HID,), dtype=jnp.float32)
    d["fc1_W"] = jax.random.normal(ks[10], (32, HID), dtype=jnp.float32) * 0.05
    d["fc1_b"] = jnp.zeros((32,), dtype=jnp.float32)
    d["fc2_W"] = jax.random.normal(ks[11], (1, 32), dtype=jnp.float32) * 0.05
    d["fc2_b"] = jnp.zeros((1,), dtype=jnp.float32)
    return d


def _gru_forward(x, W_ih, W_hh, b_ih, b_hh):
    # x: [B, L, INP] -> last hidden state [B, HID]
    xs = jnp.swapaxes(x, 0, 1)  # [L, B, INP]
    h0 = jnp.zeros((x.shape[0], HID), dtype=x.dtype)

    def step(h, xt):
        gi = xt @ W_ih.T + b_ih
        gh = h @ W_hh.T + b_hh
        i_r, i_z, i_n = jnp.split(gi, 3, axis=-1)
        h_r, h_z, h_n = jnp.split(gh, 3, axis=-1)
        r = jax.nn.sigmoid(i_r + h_r)
        z = jax.nn.sigmoid(i_z + h_z)
        n = jnp.tanh(i_n + r * h_n)
        h_new = (1.0 - z) * n + z * h
        return h_new, None

    h_last, _ = jax.lax.scan(step, h0, xs)
    return h_last


def reference(seq, time_gap, item_emb, cate_emb, brand_emb, merchant_emb, action_emb,
              time_W, time_b, W_ih, W_hh, b_ih, b_hh, fc1_W, fc1_b, fc2_W, fc2_b):
    item = jnp.take(item_emb, seq[:, :, 0], axis=0)
    cate = jnp.take(cate_emb, seq[:, :, 1], axis=0)
    brand = jnp.take(brand_emb, seq[:, :, 2], axis=0)
    merchant = jnp.take(merchant_emb, seq[:, :, 3], axis=0)
    action = jnp.take(action_emb, seq[:, :, 4], axis=0)
    tg = time_gap[:, :, None]
    time_feat = tg @ time_W.T + time_b
    x = jnp.concatenate([item, cate, brand, merchant, action, time_feat], axis=-1)
    h = _gru_forward(x, W_ih, W_hh, b_ih, b_hh)
    out = jax.nn.relu(h @ fc1_W.T + fc1_b)
    out = out @ fc2_W.T + fc2_b
    out = jax.nn.sigmoid(out)
    return out.squeeze(-1)

if __name__ == "__main__":
    import jax
    _d = setup_inputs()
    print(jax.jit(kernel)(*tuple(_d.values())))

</pallas_src>

<mosaic_0001>
#map = affine_map<(d0, d1) -> (0, 0)>
#map1 = affine_map<(d0, d1) -> (0, 0, 0)>
module attributes {stable_mosaic.version = 14 : i64} {
  func.func @_sc_gather_body(%arg0: i32, %arg1: i32, %arg2: memref<1024x32xbf16, #tpu.memory_space<hbm>>, %arg3: memref<1000x32xbf16, #tpu.memory_space<hbm>>, %arg4: memref<1024x32xbf16, #tpu.memory_space<hbm>>, %arg5: memref<1024x32xbf16, #tpu.memory_space<hbm>>, %arg6: memref<1000x32xbf16, #tpu.memory_space<hbm>>, %arg7: memref<32x50x128xi32, #tpu.memory_space<hbm>>, %arg8: memref<32x50x128xi32, #tpu.memory_space<hbm>>, %arg9: memref<32x50x128xi32, #tpu.memory_space<hbm>>, %arg10: memref<32x50x128xi32, #tpu.memory_space<hbm>>, %arg11: memref<32x50x128xi32, #tpu.memory_space<hbm>>, %arg12: memref<204800x160xbf16, #tpu.memory_space<hbm>>, %arg13: memref<5x50x128xi32, #tpu.memory_space<vmem>>, %arg14: memref<5x128x32xbf16, #tpu.memory_space<vmem>>, %arg15: memref<!tpu.dma_semaphore, #tpu.memory_space<semaphore_mem>>) attributes {dimension_semantics = [#tpu.dimension_semantics<core_parallel>, #tpu.dimension_semantics<subcore_parallel>], iteration_bounds = array<i64: 2, 16>, scalar_prefetch = 0 : i64, scratch_operands = 3 : i64, tpu.core_type = #tpu.core_type<sc_vector_subcore>, window_params = [{transform_indices = #map}, {transform_indices = #map}, {transform_indices = #map}, {transform_indices = #map}, {transform_indices = #map}, {transform_indices = #map1}, {transform_indices = #map1}, {transform_indices = #map1}, {transform_indices = #map1}, {transform_indices = #map1}, {transform_indices = #map}]} {
    %mul3A = arith.constant 2 : i32
    %mul3A_0 = arith.muli %arg1, %mul3A : i32
    %add3A = arith.addi %mul3A_0, %arg0 : i32
    %mul3A_1 = arith.constant 6400 : i32
    %mul3A_2 = arith.muli %add3A, %mul3A_1 : i32
    %run_scoped3A = arith.constant 0 : i32
    "tpu.region"() ({
      %run_scoped3A_12 = tpu.sem_alloc : memref<!tpu.dma_semaphore, #tpu.memory_space<semaphore_mem>>
      %dma_start3A = arith.constant 0 : i32
      %dma_start3A_13 = arith.constant 0 : i32
      %dma_start3A_14 = tpu.memref_slice %arg13[%run_scoped3A, %dma_start3A, %dma_start3A_13] : memref<5x50x128xi32, #tpu.memory_space<vmem>> -> memref<1x50x128xi32, #tpu.memory_space<vmem>>
      %dma_start3A_15 = tpu.memref_squeeze %dma_start3A_14 : memref<1x50x128xi32, #tpu.memory_space<vmem>> -> memref<50x128xi32, #tpu.memory_space<vmem>>
      %dma_start3A_16 = arith.constant 0 : i32
      %dma_start3A_17 = arith.constant 0 : i32
      %dma_start3A_18 = tpu.memref_slice %arg7[%add3A, %dma_start3A_16, %dma_start3A_17] : memref<32x50x128xi32, #tpu.memory_space<hbm>> -> memref<1x50x128xi32, #tpu.memory_space<hbm>>
      %dma_start3A_19 = tpu.memref_squeeze %dma_start3A_18 : memref<1x50x128xi32, #tpu.memory_space<hbm>> -> memref<50x128xi32, #tpu.memory_space<hbm>>
      %dma_start3A_20 = arith.constant 0 : i32
      %dma_start3A_21 = arith.constant 0 : i32
      %dma_start3A_22 = tpu.memref_slice %arg13[%run_scoped3A, %dma_start3A_20, %dma_start3A_21] : memref<5x50x128xi32, #tpu.memory_space<vmem>> -> memref<1x50x128xi32, #tpu.memory_space<vmem>>
      %dma_start3A_23 = tpu.memref_squeeze %dma_start3A_22 : memref<1x50x128xi32, #tpu.memory_space<vmem>> -> memref<50x128xi32, #tpu.memory_space<vmem>>
      %dma_start3A_24 = arith.constant 0 : i32
      %dma_start3A_25 = arith.constant 0 : i32
      %dma_start3A_26 = tpu.memref_slice %arg7[%add3A, %dma_start3A_24, %dma_start3A_25] : memref<32x50x128xi32, #tpu.memory_space<hbm>> -> memref<1x50x128xi32, #tpu.memory_space<hbm>>
      %dma_start3A_27 = tpu.memref_squeeze %dma_start3A_26 : memref<1x50x128xi32, #tpu.memory_space<hbm>> -> memref<50x128xi32, #tpu.memory_space<hbm>>
      tpu.enqueue_dma source(%dma_start3A_27 : memref<50x128xi32, #tpu.memory_space<hbm>>) target(%dma_start3A_23 : memref<50x128xi32, #tpu.memory_space<vmem>>) target_semaphore(%run_scoped3A_12 : memref<!tpu.dma_semaphore, #tpu.memory_space<semaphore_mem>>)
      %dma_wait3A = arith.constant 0 : i32
      %dma_wait3A_28 = arith.constant 0 : i32
      %dma_wait3A_29 = tpu.memref_slice %arg13[%run_scoped3A, %dma_wait3A, %dma_wait3A_28] : memref<5x50x128xi32, #tpu.memory_space<vmem>> -> memref<1x50x128xi32, #tpu.memory_space<vmem>>
      %dma_wait3A_30 = tpu.memref_squeeze %dma_wait3A_29 : memref<1x50x128xi32, #tpu.memory_space<vmem>> -> memref<50x128xi32, #tpu.memory_space<vmem>>
      %dma_wait3A_31 = arith.constant 0 : i32
      %dma_wait3A_32 = arith.constant 0 : i32
      %dma_wait3A_33 = tpu.memref_slice %arg7[%add3A, %dma_wait3A_31, %dma_wait3A_32] : memref<32x50x128xi32, #tpu.memory_space<hbm>> -> memref<1x50x128xi32, #tpu.memory_space<hbm>>
      %dma_wait3A_34 = tpu.memref_squeeze %dma_wait3A_33 : memref<1x50x128xi32, #tpu.memory_space<hbm>> -> memref<50x128xi32, #tpu.memory_space<hbm>>
      %dma_wait3A_35 = arith.constant 0 : i32
      %dma_wait3A_36 = arith.constant 0 : i32
      %dma_wait3A_37 = tpu.memref_slice %arg13[%run_scoped3A, %dma_wait3A_35, %dma_wait3A_36] : memref<5x50x128xi32, #tpu.memory_space<vmem>> -> memref<1x50x128xi32, #tpu.memory_space<vmem>>
      %dma_wait3A_38 = tpu.memref_squeeze %dma_wait3A_37 : memref<1x50x128xi32, #tpu.memory_space<vmem>> -> memref<50x128xi32, #tpu.memory_space<vmem>>
      %dma_wait3A_39 = arith.constant 0 : i32
      %dma_wait3A_40 = arith.constant 0 : i32
      %dma_wait3A_41 = tpu.memref_slice %arg7[%add3A, %dma_wait3A_39, %dma_wait3A_40] : memref<32x50x128xi32, #tpu.memory_space<hbm>> -> memref<1x50x128xi32, #tpu.memory_space<hbm>>
      %dma_wait3A_42 = tpu.memref_squeeze %dma_wait3A_41 : memref<1x50x128xi32, #tpu.memory_space<hbm>> -> memref<50x128xi32, #tpu.memory_space<hbm>>
      tpu.wait_dma2 semaphore(%run_scoped3A_12 : memref<!tpu.dma_semaphore, #tpu.memory_space<semaphore_mem>>) src(%dma_wait3A_42 : memref<50x128xi32, #tpu.memory_space<hbm>>) dst(%dma_wait3A_38 : memref<50x128xi32, #tpu.memory_space<vmem>>)
      tpu.yield
    }) : () -> ()
    %run_scoped3A_3 = arith.constant 1 : i32
    "tpu.region"() ({
      %run_scoped3A_12 = tpu.sem_alloc : memref<!tpu.dma_semaphore, #tpu.memory_space<semaphore_mem>>
      %dma_start3A = arith.constant 0 : i32
      %dma_start3A_13 = arith.constant 0 : i32
      %dma_start3A_14 = tpu.memref_slice %arg13[%run_scoped3A_3, %dma_start3A, %dma_start3A_13] : memref<5x50x128xi32, #tpu.memory_space<vmem>> -> memref<1x50x128xi32, #tpu.memory_space<vmem>>
      %dma_start3A_15 = tpu.memref_squeeze %dma_start3A_14 : memref<1x50x128xi32, #tpu.memory_space<vmem>> -> memref<50x128xi32, #tpu.memory_space<vmem>>
      %dma_start3A_16 = arith.constant 0 : i32
      %dma_start3A_17 = arith.constant 0 : i32
      %dma_start3A_18 = tpu.memref_slice %arg8[%add3A, %dma_start3A_16, %dma_start3A_17] : memref<32x50x128xi32, #tpu.memory_space<hbm>> -> memref<1x50x128xi32, #tpu.memory_space<hbm>>
      %dma_start3A_19 = tpu.memref_squeeze %dma_start3A_18 : memref<1x50x128xi32, #tpu.memory_space<hbm>> -> memref<50x128xi32, #tpu.memory_space<hbm>>
      %dma_start3A_20 = arith.constant 0 : i32
      %dma_start3A_21 = arith.constant 0 : i32
      %dma_start3A_22 = tpu.memref_slice %arg13[%run_scoped3A_3, %dma_start3A_20, %dma_start3A_21] : memref<5x50x128xi32, #tpu.memory_space<vmem>> -> memref<1x50x128xi32, #tpu.memory_space<vmem>>
      %dma_start3A_23 = tpu.memref_squeeze %dma_start3A_22 : memref<1x50x128xi32, #tpu.memory_space<vmem>> -> memref<50x128xi32, #tpu.memory_space<vmem>>
      %dma_start3A_24 = arith.constant 0 : i32
      %dma_start3A_25 = arith.constant 0 : i32
      %dma_start3A_26 = tpu.memref_slice %arg8[%add3A, %dma_start3A_24, %dma_start3A_25] : memref<32x50x128xi32, #tpu.memory_space<hbm>> -> memref<1x50x128xi32, #tpu.memory_space<hbm>>
      %dma_start3A_27 = tpu.memref_squeeze %dma_start3A_26 : memref<1x50x128xi32, #tpu.memory_space<hbm>> -> memref<50x128xi32, #tpu.memory_space<hbm>>
      tpu.enqueue_dma source(%dma_start3A_27 : memref<50x128xi32, #tpu.memory_space<hbm>>) target(%dma_start3A_23 : memref<50x128xi32, #tpu.memory_space<vmem>>) target_semaphore(%run_scoped3A_12 : memref<!tpu.dma_semaphore, #tpu.memory_space<semaphore_mem>>)
      %dma_wait3A = arith.constant 0 : i32
      %dma_wait3A_28 = arith.constant 0 : i32
      %dma_wait3A_29 = tpu.memref_slice %arg13[%run_scoped3A_3, %dma_wait3A, %dma_wait3A_28] : memref<5x50x128xi32, #tpu.memory_space<vmem>> -> memref<1x50x128xi32, #tpu.memory_space<vmem>>
      %dma_wait3A_30 = tpu.memref_squeeze %dma_wait3A_29 : memref<1x50x128xi32, #tpu.memory_space<vmem>> -> memref<50x128xi32, #tpu.memory_space<vmem>>
      %dma_wait3A_31 = arith.constant 0 : i32
      %dma_wait3A_32 = arith.constant 0 : i32
      %dma_wait3A_33 = tpu.memref_slice %arg8[%add3A, %dma_wait3A_31, %dma_wait3A_32] : memref<32x50x128xi32, #tpu.memory_space<hbm>> -> memref<1x50x128xi32, #tpu.memory_space<hbm>>
      %dma_wait3A_34 = tpu.memref_squeeze %dma_wait3A_33 : memref<1x50x128xi32, #tpu.memory_space<hbm>> -> memref<50x128xi32, #tpu.memory_space<hbm>>
      %dma_wait3A_35 = arith.constant 0 : i32
      %dma_wait3A_36 = arith.constant 0 : i32
      %dma_wait3A_37 = tpu.memref_slice %arg13[%run_scoped3A_3, %dma_wait3A_35, %dma_wait3A_36] : memref<5x50x128xi32, #tpu.memory_space<vmem>> -> memref<1x50x128xi32, #tpu.memory_space<vmem>>
      %dma_wait3A_38 = tpu.memref_squeeze %dma_wait3A_37 : memref<1x50x128xi32, #tpu.memory_space<vmem>> -> memref<50x128xi32, #tpu.memory_space<vmem>>
      %dma_wait3A_39 = arith.constant 0 : i32
      %dma_wait3A_40 = arith.constant 0 : i32
      %dma_wait3A_41 = tpu.memref_slice %arg8[%add3A, %dma_wait3A_39, %dma_wait3A_40] : memref<32x50x128xi32, #tpu.memory_space<hbm>> -> memref<1x50x128xi32, #tpu.memory_space<hbm>>
      %dma_wait3A_42 = tpu.memref_squeeze %dma_wait3A_41 : memref<1x50x128xi32, #tpu.memory_space<hbm>> -> memref<50x128xi32, #tpu.memory_space<hbm>>
      tpu.wait_dma2 semaphore(%run_scoped3A_12 : memref<!tpu.dma_semaphore, #tpu.memory_space<semaphore_mem>>) src(%dma_wait3A_42 : memref<50x128xi32, #tpu.memory_space<hbm>>) dst(%dma_wait3A_38 : memref<50x128xi32, #tpu.memory_space<vmem>>)
      tpu.yield
    }) : () -> ()
    %run_scoped3A_4 = arith.constant 2 : i32
    "tpu.region"() ({
      %run_scoped3A_12 = tpu.sem_alloc : memref<!tpu.dma_semaphore, #tpu.memory_space<semaphore_mem>>
      %dma_start3A = arith.constant 0 : i32
      %dma_start3A_13 = arith.constant 0 : i32
      %dma_start3A_14 = tpu.memref_slice %arg13[%run_scoped3A_4, %dma_start3A, %dma_start3A_13] : memref<5x50x128xi32, #tpu.memory_space<vmem>> -> memref<1x50x128xi32, #tpu.memory_space<vmem>>
      %dma_start3A_15 = tpu.memref_squeeze %dma_start3A_14 : memref<1x50x128xi32, #tpu.memory_space<vmem>> -> memref<50x128xi32, #tpu.memory_space<vmem>>
      %dma_start3A_16 = arith.constant 0 : i32
      %dma_start3A_17 = arith.constant 0 : i32
      %dma_start3A_18 = tpu.memref_slice %arg9[%add3A, %dma_start3A_16, %dma_start3A_17] : memref<32x50x128xi32, #tpu.memory_space<hbm>> -> memref<1x50x128xi32, #tpu.memory_space<hbm>>
      %dma_start3A_19 = tpu.memref_squeeze %dma_start3A_18 : memref<1x50x128xi32, #tpu.memory_space<hbm>> -> memref<50x128xi32, #tpu.memory_space<hbm>>
      %dma_start3A_20 = arith.constant 0 : i32
      %dma_start3A_21 = arith.constant 0 : i32
      %dma_start3A_22 = tpu.memref_slice %arg13[%run_scoped3A_4, %dma_start3A_20, %dma_start3A_21] : memref<5x50x128xi32, #tpu.memory_space<vmem>> -> memref<1x50x128xi32, #tpu.memory_space<vmem>>
      %dma_start3A_23 = tpu.memref_squeeze %dma_start3A_22 : memref<1x50x128xi32, #tpu.memory_space<vmem>> -> memref<50x128xi32, #tpu.memory_space<vmem>>
      %dma_start3A_24 = arith.constant 0 : i32
      %dma_start3A_25 = arith.constant 0 : i32
      %dma_start3A_26 = tpu.memref_slice %arg9[%add3A, %dma_start3A_24, %dma_start3A_25] : memref<32x50x128xi32, #tpu.memory_space<hbm>> -> memref<1x50x128xi32, #tpu.memory_space<hbm>>
      %dma_start3A_27 = tpu.memref_squeeze %dma_start3A_26 : memref<1x50x128xi32, #tpu.memory_space<hbm>> -> memref<50x128xi32, #tpu.memory_space<hbm>>
      tpu.enqueue_dma source(%dma_start3A_27 : memref<50x128xi32, #tpu.memory_space<hbm>>) target(%dma_start3A_23 : memref<50x128xi32, #tpu.memory_space<vmem>>) target_semaphore(%run_scoped3A_12 : memref<!tpu.dma_semaphore, #tpu.memory_space<semaphore_mem>>)
      %dma_wait3A = arith.constant 0 : i32
      %dma_wait3A_28 = arith.constant 0 : i32
      %dma_wait3A_29 = tpu.memref_slice %arg13[%run_scoped3A_4, %dma_wait3A, %dma_wait3A_28] : memref<5x50x128xi32, #tpu.memory_space<vmem>> -> memref<1x50x128xi32, #tpu.memory_space<vmem>>
      %dma_wait3A_30 = tpu.memref_squeeze %dma_wait3A_29 : memref<1x50x128xi32, #tpu.memory_space<vmem>> -> memref<50x128xi32, #tpu.memory_space<vmem>>
      %dma_wait3A_31 = arith.constant 0 : i32
      %dma_wait3A_32 = arith.constant 0 : i32
      %dma_wait3A_33 = tpu.memref_slice %arg9[%add3A, %dma_wait3A_31, %dma_wait3A_32] : memref<32x50x128xi32, #tpu.memory_space<hbm>> -> memref<1x50x128xi32, #tpu.memory_space<hbm>>
      %dma_wait3A_34 = tpu.memref_squeeze %dma_wait3A_33 : memref<1x50x128xi32, #tpu.memory_space<hbm>> -> memref<50x128xi32, #tpu.memory_space<hbm>>
      %dma_wait3A_35 = arith.constant 0 : i32
      %dma_wait3A_36 = arith.constant 0 : i32
      %dma_wait3A_37 = tpu.memref_slice %arg13[%run_scoped3A_4, %dma_wait3A_35, %dma_wait3A_36] : memref<5x50x128xi32, #tpu.memory_space<vmem>> -> memref<1x50x128xi32, #tpu.memory_space<vmem>>
      %dma_wait3A_38 = tpu.memref_squeeze %dma_wait3A_37 : memref<1x50x128xi32, #tpu.memory_space<vmem>> -> memref<50x128xi32, #tpu.memory_space<vmem>>
      %dma_wait3A_39 = arith.constant 0 : i32
      %dma_wait3A_40 = arith.constant 0 : i32
      %dma_wait3A_41 = tpu.memref_slice %arg9[%add3A, %dma_wait3A_39, %dma_wait3A_40] : memref<32x50x128xi32, #tpu.memory_space<hbm>> -> memref<1x50x128xi32, #tpu.memory_space<hbm>>
      %dma_wait3A_42 = tpu.memref_squeeze %dma_wait3A_41 : memref<1x50x128xi32, #tpu.memory_space<hbm>> -> memref<50x128xi32, #tpu.memory_space<hbm>>
      tpu.wait_dma2 semaphore(%run_scoped3A_12 : memref<!tpu.dma_semaphore, #tpu.memory_space<semaphore_mem>>) src(%dma_wait3A_42 : memref<50x128xi32, #tpu.memory_space<hbm>>) dst(%dma_wait3A_38 : memref<50x128xi32, #tpu.memory_space<vmem>>)
      tpu.yield
    }) : () -> ()
    %run_scoped3A_5 = arith.constant 3 : i32
    "tpu.region"() ({
      %run_scoped3A_12 = tpu.sem_alloc : memref<!tpu.dma_semaphore, #tpu.memory_space<semaphore_mem>>
      %dma_start3A = arith.constant 0 : i32
      %dma_start3A_13 = arith.constant 0 : i32
      %dma_start3A_14 = tpu.memref_slice %arg13[%run_scoped3A_5, %dma_start3A, %dma_start3A_13] : memref<5x50x128xi32, #tpu.memory_space<vmem>> -> memref<1x50x128xi32, #tpu.memory_space<vmem>>
      %dma_start3A_15 = tpu.memref_squeeze %dma_start3A_14 : memref<1x50x128xi32, #tpu.memory_space<vmem>> -> memref<50x128xi32, #tpu.memory_space<vmem>>
      %dma_start3A_16 = arith.constant 0 : i32
      %dma_start3A_17 = arith.constant 0 : i32
      %dma_start3A_18 = tpu.memref_slice %arg10[%add3A, %dma_start3A_16, %dma_start3A_17] : memref<32x50x128xi32, #tpu.memory_space<hbm>> -> memref<1x50x128xi32, #tpu.memory_space<hbm>>
      %dma_start3A_19 = tpu.memref_squeeze %dma_start3A_18 : memref<1x50x128xi32, #tpu.memory_space<hbm>> -> memref<50x128xi32, #tpu.memory_space<hbm>>
      %dma_start3A_20 = arith.constant 0 : i32
      %dma_start3A_21 = arith.constant 0 : i32
      %dma_start3A_22 = tpu.memref_slice %arg13[%run_scoped3A_5, %dma_start3A_20, %dma_start3A_21] : memref<5x50x128xi32, #tpu.memory_space<vmem>> -> memref<1x50x128xi32, #tpu.memory_space<vmem>>
      %dma_start3A_23 = tpu.memref_squeeze %dma_start3A_22 : memref<1x50x128xi32, #tpu.memory_space<vmem>> -> memref<50x128xi32, #tpu.memory_space<vmem>>
      %dma_start3A_24 = arith.constant 0 : i32
      %dma_start3A_25 = arith.constant 0 : i32
      %dma_start3A_26 = tpu.memref_slice %arg10[%add3A, %dma_start3A_24, %dma_start3A_25] : memref<32x50x128xi32, #tpu.memory_space<hbm>> -> memref<1x50x128xi32, #tpu.memory_space<hbm>>
      %dma_start3A_27 = tpu.memref_squeeze %dma_start3A_26 : memref<1x50x128xi32, #tpu.memory_space<hbm>> -> memref<50x128xi32, #tpu.memory_space<hbm>>
      tpu.enqueue_dma source(%dma_start3A_27 : memref<50x128xi32, #tpu.memory_space<hbm>>) target(%dma_start3A_23 : memref<50x128xi32, #tpu.memory_space<vmem>>) target_semaphore(%run_scoped3A_12 : memref<!tpu.dma_semaphore, #tpu.memory_space<semaphore_mem>>)
      %dma_wait3A = arith.constant 0 : i32
      %dma_wait3A_28 = arith.constant 0 : i32
      %dma_wait3A_29 = tpu.memref_slice %arg13[%run_scoped3A_5, %dma_wait3A, %dma_wait3A_28] : memref<5x50x128xi32, #tpu.memory_space<vmem>> -> memref<1x50x128xi32, #tpu.memory_space<vmem>>
      %dma_wait3A_30 = tpu.memref_squeeze %dma_wait3A_29 : memref<1x50x128xi32, #tpu.memory_space<vmem>> -> memref<50x128xi32, #tpu.memory_space<vmem>>
      %dma_wait3A_31 = arith.constant 0 : i32
      %dma_wait3A_32 = arith.constant 0 : i32
      %dma_wait3A_33 = tpu.memref_slice %arg10[%add3A, %dma_wait3A_31, %dma_wait3A_32] : memref<32x50x128xi32, #tpu.memory_space<hbm>> -> memref<1x50x128xi32, #tpu.memory_space<hbm>>
      %dma_wait3A_34 = tpu.memref_squeeze %dma_wait3A_33 : memref<1x50x128xi32, #tpu.memory_space<hbm>> -> memref<50x128xi32, #tpu.memory_space<hbm>>
      %dma_wait3A_35 = arith.constant 0 : i32
      %dma_wait3A_36 = arith.constant 0 : i32
      %dma_wait3A_37 = tpu.memref_slice %arg13[%run_scoped3A_5, %dma_wait3A_35, %dma_wait3A_36] : memref<5x50x128xi32, #tpu.memory_space<vmem>> -> memref<1x50x128xi32, #tpu.memory_space<vmem>>
      %dma_wait3A_38 = tpu.memref_squeeze %dma_wait3A_37 : memref<1x50x128xi32, #tpu.memory_space<vmem>> -> memref<50x128xi32, #tpu.memory_space<vmem>>
      %dma_wait3A_39 = arith.constant 0 : i32
      %dma_wait3A_40 = arith.constant 0 : i32
      %dma_wait3A_41 = tpu.memref_slice %arg10[%add3A, %dma_wait3A_39, %dma_wait3A_40] : memref<32x50x128xi32, #tpu.memory_space<hbm>> -> memref<1x50x128xi32, #tpu.memory_space<hbm>>
      %dma_wait3A_42 = tpu.memref_squeeze %dma_wait3A_41 : memref<1x50x128xi32, #tpu.memory_space<hbm>> -> memref<50x128xi32, #tpu.memory_space<hbm>>
      tpu.wait_dma2 semaphore(%run_scoped3A_12 : memref<!tpu.dma_semaphore, #tpu.memory_space<semaphore_mem>>) src(%dma_wait3A_42 : memref<50x128xi32, #tpu.memory_space<hbm>>) dst(%dma_wait3A_38 : memref<50x128xi32, #tpu.memory_space<vmem>>)
      tpu.yield
    }) : () -> ()
    %run_scoped3A_6 = arith.constant 4 : i32
    "tpu.region"() ({
      %run_scoped3A_12 = tpu.sem_alloc : memref<!tpu.dma_semaphore, #tpu.memory_space<semaphore_mem>>
      %dma_start3A = arith.constant 0 : i32
      %dma_start3A_13 = arith.constant 0 : i32
      %dma_start3A_14 = tpu.memref_slice %arg13[%run_scoped3A_6, %dma_start3A, %dma_start3A_13] : memref<5x50x128xi32, #tpu.memory_space<vmem>> -> memref<1x50x128xi32, #tpu.memory_space<vmem>>
      %dma_start3A_15 = tpu.memref_squeeze %dma_start3A_14 : memref<1x50x128xi32, #tpu.memory_space<vmem>> -> memref<50x128xi32, #tpu.memory_space<vmem>>
      %dma_start3A_16 = arith.constant 0 : i32
      %dma_start3A_17 = arith.constant 0 : i32
      %dma_start3A_18 = tpu.memref_slice %arg11[%add3A, %dma_start3A_16, %dma_start3A_17] : memref<32x50x128xi32, #tpu.memory_space<hbm>> -> memref<1x50x128xi32, #tpu.memory_space<hbm>>
      %dma_start3A_19 = tpu.memref_squeeze %dma_start3A_18 : memref<1x50x128xi32, #tpu.memory_space<hbm>> -> memref<50x128xi32, #tpu.memory_space<hbm>>
      %dma_start3A_20 = arith.constant 0 : i32
      %dma_start3A_21 = arith.constant 0 : i32
      %dma_start3A_22 = tpu.memref_slice %arg13[%run_scoped3A_6, %dma_start3A_20, %dma_start3A_21] : memref<5x50x128xi32, #tpu.memory_space<vmem>> -> memref<1x50x128xi32, #tpu.memory_space<vmem>>
      %dma_start3A_23 = tpu.memref_squeeze %dma_start3A_22 : memref<1x50x128xi32, #tpu.memory_space<vmem>> -> memref<50x128xi32, #tpu.memory_space<vmem>>
      %dma_start3A_24 = arith.constant 0 : i32
      %dma_start3A_25 = arith.constant 0 : i32
      %dma_start3A_26 = tpu.memref_slice %arg11[%add3A, %dma_start3A_24, %dma_start3A_25] : memref<32x50x128xi32, #tpu.memory_space<hbm>> -> memref<1x50x128xi32, #tpu.memory_space<hbm>>
      %dma_start3A_27 = tpu.memref_squeeze %dma_start3A_26 : memref<1x50x128xi32, #tpu.memory_space<hbm>> -> memref<50x128xi32, #tpu.memory_space<hbm>>
      tpu.enqueue_dma source(%dma_start3A_27 : memref<50x128xi32, #tpu.memory_space<hbm>>) target(%dma_start3A_23 : memref<50x128xi32, #tpu.memory_space<vmem>>) target_semaphore(%run_scoped3A_12 : memref<!tpu.dma_semaphore, #tpu.memory_space<semaphore_mem>>)
      %dma_wait3A = arith.constant 0 : i32
      %dma_wait3A_28 = arith.constant 0 : i32
      %dma_wait3A_29 = tpu.memref_slice %arg13[%run_scoped3A_6, %dma_wait3A, %dma_wait3A_28] : memref<5x50x128xi32, #tpu.memory_space<vmem>> -> memref<1x50x128xi32, #tpu.memory_space<vmem>>
      %dma_wait3A_30 = tpu.memref_squeeze %dma_wait3A_29 : memref<1x50x128xi32, #tpu.memory_space<vmem>> -> memref<50x128xi32, #tpu.memory_space<vmem>>
      %dma_wait3A_31 = arith.constant 0 : i32
      %dma_wait3A_32 = arith.constant 0 : i32
      %dma_wait3A_33 = tpu.memref_slice %arg11[%add3A, %dma_wait3A_31, %dma_wait3A_32] : memref<32x50x128xi32, #tpu.memory_space<hbm>> -> memref<1x50x128xi32, #tpu.memory_space<hbm>>
      %dma_wait3A_34 = tpu.memref_squeeze %dma_wait3A_33 : memref<1x50x128xi32, #tpu.memory_space<hbm>> -> memref<50x128xi32, #tpu.memory_space<hbm>>
      %dma_wait3A_35 = arith.constant 0 : i32
      %dma_wait3A_36 = arith.constant 0 : i32
      %dma_wait3A_37 = tpu.memref_slice %arg13[%run_scoped3A_6, %dma_wait3A_35, %dma_wait3A_36] : memref<5x50x128xi32, #tpu.memory_space<vmem>> -> memref<1x50x128xi32, #tpu.memory_space<vmem>>
      %dma_wait3A_38 = tpu.memref_squeeze %dma_wait3A_37 : memref<1x50x128xi32, #tpu.memory_space<vmem>> -> memref<50x128xi32, #tpu.memory_space<vmem>>
      %dma_wait3A_39 = arith.constant 0 : i32
      %dma_wait3A_40 = arith.constant 0 : i32
      %dma_wait3A_41 = tpu.memref_slice %arg11[%add3A, %dma_wait3A_39, %dma_wait3A_40] : memref<32x50x128xi32, #tpu.memory_space<hbm>> -> memref<1x50x128xi32, #tpu.memory_space<hbm>>
      %dma_wait3A_42 = tpu.memref_squeeze %dma_wait3A_41 : memref<1x50x128xi32, #tpu.memory_space<hbm>> -> memref<50x128xi32, #tpu.memory_space<hbm>>
      tpu.wait_dma2 semaphore(%run_scoped3A_12 : memref<!tpu.dma_semaphore, #tpu.memory_space<semaphore_mem>>) src(%dma_wait3A_42 : memref<50x128xi32, #tpu.memory_space<hbm>>) dst(%dma_wait3A_38 : memref<50x128xi32, #tpu.memory_space<vmem>>)
      tpu.yield
    }) : () -> ()
    %scan3A = arith.constant 0 : i32
    %scan3A_7 = arith.constant 0 : i32
    %scan3A_8 = arith.constant 50 : i32
    %scan3A_9 = arith.addi %scan3A_7, %scan3A_8 : i32
    %scan3A_10 = arith.constant 1 : i32
    scf.for %scan3A_12 = %scan3A_7 to %scan3A_9 step %scan3A_10  : i32 {
      %mul3A_13 = arith.constant 128 : i32
      %mul3A_14 = arith.muli %scan3A_12, %mul3A_13 : i32
      %add3A_15 = arith.addi %mul3A_2, %mul3A_14 : i32
      %dma_start3A = arith.constant 0 : i32
      %dma_start3A_16 = arith.constant 0 : i32
      %dma_start3A_17 = arith.constant 0 : i32
      %dma_start3A_18 = arith.constant 0 : i32
      %dma_start3A_19 = tpu.memref_slice %arg14[%dma_start3A_16, %dma_start3A_17, %dma_start3A_18] : memref<5x128x32xbf16, #tpu.memory_space<vmem>> -> memref<1x128x32xbf16, #tpu.memory_space<vmem>>
      %dma_start3A_20 = tpu.memref_squeeze %dma_start3A_19 : memref<1x128x32xbf16, #tpu.memory_space<vmem>> -> memref<128x32xbf16, #tpu.memory_space<vmem>>
      %dma_start3A_21 = arith.constant 0 : i32
      %dma_start3A_22 = tpu.memref_slice %arg13[%dma_start3A, %scan3A_12, %dma_start3A_21] : memref<5x50x128xi32, #tpu.memory_space<vmem>> -> memref<1x1x128xi32, #tpu.memory_space<vmem>>
      %dma_start3A_23 = tpu.memref_squeeze %dma_start3A_22 : memref<1x1x128xi32, #tpu.memory_space<vmem>> -> memref<128xi32, #tpu.memory_space<vmem>>
      %dma_start3A_24 = arith.constant 0 : i32
      %dma_start3A_25 = arith.constant 0 : i32
      %dma_start3A_26 = tpu.memref_slice %arg2[%dma_start3A_24, %dma_start3A_25] : memref<1024x32xbf16, #tpu.memory_space<hbm>> -> memref<1024x32xbf16, #tpu.memory_space<hbm>>
      tpu.enqueue_indirect_dma source(%dma_start3A_26 : memref<1024x32xbf16, #tpu.memory_space<hbm>>) target(%dma_start3A_20 : memref<128x32xbf16, #tpu.memory_space<vmem>>) offsets(%dma_start3A_23 : memref<128xi32, #tpu.memory_space<vmem>>) semaphore(%arg15 : memref<!tpu.dma_semaphore, #tpu.memory_space<semaphore_mem>>)
      %dma_start3A_27 = arith.constant 1 : i32
      %dma_start3A_28 = arith.constant 1 : i32
      %dma_start3A_29 = arith.constant 0 : i32
      %dma_start3A_30 = arith.constant 0 : i32
      %dma_start3A_31 = tpu.memref_slice %arg14[%dma_start3A_28, %dma_start3A_29, %dma_start3A_30] : memref<5x128x32xbf16, #tpu.memory_space<vmem>> -> memref<1x128x32xbf16, #tpu.memory_space<vmem>>
      %dma_start3A_32 = tpu.memref_squeeze %dma_start3A_31 : memref<1x128x32xbf16, #tpu.memory_space<vmem>> -> memref<128x32xbf16, #tpu.memory_space<vmem>>
      %dma_start3A_33 = arith.constant 0 : i32
      %dma_start3A_34 = tpu.memref_slice %arg13[%dma_start3A_27, %scan3A_12, %dma_start3A_33] : memref<5x50x128xi32, #tpu.memory_space<vmem>> -> memref<1x1x128xi32, #tpu.memory_space<vmem>>
      %dma_start3A_35 = tpu.memref_squeeze %dma_start3A_34 : memref<1x1x128xi32, #tpu.memory_space<vmem>> -> memref<128xi32, #tpu.memory_space<vmem>>
      %dma_start3A_36 = arith.constant 0 : i32
      %dma_start3A_37 = arith.constant 0 : i32
      %dma_start3A_38 = tpu.memref_slice %arg3[%dma_start3A_36, %dma_start3A_37] : memref<1000x32xbf16, #tpu.memory_space<hbm>> -> memref<1000x32xbf16, #tpu.memory_space<hbm>>
      tpu.enqueue_indirect_dma source(%dma_start3A_38 : memref<1000x32xbf16, #tpu.memory_space<hbm>>) target(%dma_start3A_32 : memref<128x32xbf16, #tpu.memory_space<vmem>>) offsets(%dma_start3A_35 : memref<128xi32, #tpu.memory_space<vmem>>) semaphore(%arg15 : memref<!tpu.dma_semaphore, #tpu.memory_space<semaphore_mem>>)
      %dma_start3A_39 = arith.constant 2 : i32
      %dma_start3A_40 = arith.constant 2 : i32
      %dma_start3A_41 = arith.constant 0 : i32
      %dma_start3A_42 = arith.constant 0 : i32
      %dma_start3A_43 = tpu.memref_slice %arg14[%dma_start3A_40, %dma_start3A_41, %dma_start3A_42] : memref<5x128x32xbf16, #tpu.memory_space<vmem>> -> memref<1x128x32xbf16, #tpu.memory_space<vmem>>
      %dma_start3A_44 = tpu.memref_squeeze %dma_start3A_43 : memref<1x128x32xbf16, #tpu.memory_space<vmem>> -> memref<128x32xbf16, #tpu.memory_space<vmem>>
      %dma_start3A_45 = arith.constant 0 : i32
      %dma_start3A_46 = tpu.memref_slice %arg13[%dma_start3A_39, %scan3A_12, %dma_start3A_45] : memref<5x50x128xi32, #tpu.memory_space<vmem>> -> memref<1x1x128xi32, #tpu.memory_space<vmem>>
      %dma_start3A_47 = tpu.memref_squeeze %dma_start3A_46 : memref<1x1x128xi32, #tpu.memory_space<vmem>> -> memref<128xi32, #tpu.memory_space<vmem>>
      %dma_start3A_48 = arith.constant 0 : i32
      %dma_start3A_49 = arith.constant 0 : i32
      %dma_start3A_50 = tpu.memref_slice %arg4[%dma_start3A_48, %dma_start3A_49] : memref<1024x32xbf16, #tpu.memory_space<hbm>> -> memref<1024x32xbf16, #tpu.memory_space<hbm>>
      tpu.enqueue_indirect_dma source(%dma_start3A_50 : memref<1024x32xbf16, #tpu.memory_space<hbm>>) target(%dma_start3A_44 : memref<128x32xbf16, #tpu.memory_space<vmem>>) offsets(%dma_start3A_47 : memref<128xi32, #tpu.memory_space<vmem>>) semaphore(%arg15 : memref<!tpu.dma_semaphore, #tpu.memory_space<semaphore_mem>>)
      %dma_start3A_51 = arith.constant 3 : i32
      %dma_start3A_52 = arith.constant 3 : i32
      %dma_start3A_53 = arith.constant 0 : i32
      %dma_start3A_54 = arith.constant 0 : i32
      %dma_start3A_55 = tpu.memref_slice %arg14[%dma_start3A_52, %dma_start3A_53, %dma_start3A_54] : memref<5x128x32xbf16, #tpu.memory_space<vmem>> -> memref<1x128x32xbf16, #tpu.memory_space<vmem>>
      %dma_start3A_56 = tpu.memref_squeeze %dma_start3A_55 : memref<1x128x32xbf16, #tpu.memory_space<vmem>> -> memref<128x32xbf16, #tpu.memory_space<vmem>>
      %dma_start3A_57 = arith.constant 0 : i32
      %dma_start3A_58 = tpu.memref_slice %arg13[%dma_start3A_51, %scan3A_12, %dma_start3A_57] : memref<5x50x128xi32, #tpu.memory_space<vmem>> -> memref<1x1x128xi32, #tpu.memory_space<vmem>>
      %dma_start3A_59 = tpu.memref_squeeze %dma_start3A_58 : memref<1x1x128xi32, #tpu.memory_space<vmem>> -> memref<128xi32, #tpu.memory_space<vmem>>
      %dma_start3A_60 = arith.constant 0 : i32
      %dma_start3A_61 = arith.constant 0 : i32
      %dma_start3A_62 = tpu.memref_slice %arg5[%dma_start3A_60, %dma_start3A_61] : memref<1024x32xbf16, #tpu.memory_space<hbm>> -> memref<1024x32xbf16, #tpu.memory_space<hbm>>
      tpu.enqueue_indirect_dma source(%dma_start3A_62 : memref<1024x32xbf16, #tpu.memory_space<hbm>>) target(%dma_start3A_56 : memref<128x32xbf16, #tpu.memory_space<vmem>>) offsets(%dma_start3A_59 : memref<128xi32, #tpu.memory_space<vmem>>) semaphore(%arg15 : memref<!tpu.dma_semaphore, #tpu.memory_space<semaphore_mem>>)
      %dma_start3A_63 = arith.constant 4 : i32
      %dma_start3A_64 = arith.constant 4 : i32
      %dma_start3A_65 = arith.constant 0 : i32
      %dma_start3A_66 = arith.constant 0 : i32
      %dma_start3A_67 = tpu.memref_slice %arg14[%dma_start3A_64, %dma_start3A_65, %dma_start3A_66] : memref<5x128x32xbf16, #tpu.memory_space<vmem>> -> memref<1x128x32xbf16, #tpu.memory_space<vmem>>
      %dma_start3A_68 = tpu.memref_squeeze %dma_start3A_67 : memref<1x128x32xbf16, #tpu.memory_space<vmem>> -> memref<128x32xbf16, #tpu.memory_space<vmem>>
      %dma_start3A_69 = arith.constant 0 : i32
      %dma_start3A_70 = tpu.memref_slice %arg13[%dma_start3A_63, %scan3A_12, %dma_start3A_69] : memref<5x50x128xi32, #tpu.memory_space<vmem>> -> memref<1x1x128xi32, #tpu.memory_space<vmem>>
      %dma_start3A_71 = tpu.memref_squeeze %dma_start3A_70 : memref<1x1x128xi32, #tpu.memory_space<vmem>> -> memref<128xi32, #tpu.memory_space<vmem>>
      %dma_start3A_72 = arith.constant 0 : i32
      %dma_start3A_73 = arith.constant 0 : i32
      %dma_start3A_74 = tpu.memref_slice %arg6[%dma_start3A_72, %dma_start3A_73] : memref<1000x32xbf16, #tpu.memory_space<hbm>> -> memref<1000x32xbf16, #tpu.memory_space<hbm>>
      tpu.enqueue_indirect_dma source(%dma_start3A_74 : memref<1000x32xbf16, #tpu.memory_space<hbm>>) target(%dma_start3A_68 : memref<128x32xbf16, #tpu.memory_space<vmem>>) offsets(%dma_start3A_71 : memref<128xi32, #tpu.memory_space<vmem>>) semaphore(%arg15 : memref<!tpu.dma_semaphore, #tpu.memory_space<semaphore_mem>>)
      %dma_wait3A = arith.constant 0 : i32
      %dma_wait3A_75 = arith.constant 0 : i32
      %dma_wait3A_76 = arith.constant 0 : i32
      %dma_wait3A_77 = arith.constant 0 : i32
      %dma_wait3A_78 = tpu.memref_slice %arg14[%dma_wait3A_75, %dma_wait3A_76, %dma_wait3A_77] : memref<5x128x32xbf16, #tpu.memory_space<vmem>> -> memref<1x128x32xbf16, #tpu.memory_space<vmem>>
      %dma_wait3A_79 = tpu.memref_squeeze %dma_wait3A_78 : memref<1x128x32xbf16, #tpu.memory_space<vmem>> -> memref<128x32xbf16, #tpu.memory_space<vmem>>
      %dma_wait3A_80 = arith.constant 0 : i32
      %dma_wait3A_81 = tpu.memref_slice %arg13[%dma_wait3A, %scan3A_12, %dma_wait3A_80] : memref<5x50x128xi32, #tpu.memory_space<vmem>> -> memref<1x1x128xi32, #tpu.memory_space<vmem>>
      %dma_wait3A_82 = tpu.memref_squeeze %dma_wait3A_81 : memref<1x1x128xi32, #tpu.memory_space<vmem>> -> memref<128xi32, #tpu.memory_space<vmem>>
      %dma_wait3A_83 = arith.constant 0 : i32
      %dma_wait3A_84 = arith.constant 0 : i32
      %dma_wait3A_85 = tpu.memref_slice %arg2[%dma_wait3A_83, %dma_wait3A_84] : memref<1024x32xbf16, #tpu.memory_space<hbm>> -> memref<1024x32xbf16, #tpu.memory_space<hbm>>
      tpu.wait_indirect_dma semaphore(%arg15 : memref<!tpu.dma_semaphore, #tpu.memory_space<semaphore_mem>>) src(%dma_wait3A_85 : memref<1024x32xbf16, #tpu.memory_space<hbm>>) dst(%dma_wait3A_79 : memref<128x32xbf16, #tpu.memory_space<vmem>>)
      %dma_wait3A_86 = arith.constant 1 : i32
      %dma_wait3A_87 = arith.constant 1 : i32
      %dma_wait3A_88 = arith.constant 0 : i32
      %dma_wait3A_89 = arith.constant 0 : i32
      %dma_wait3A_90 = tpu.memref_slice %arg14[%dma_wait3A_87, %dma_wait3A_88, %dma_wait3A_89] : memref<5x128x32xbf16, #tpu.memory_space<vmem>> -> memref<1x128x32xbf16, #tpu.memory_space<vmem>>
      %dma_wait3A_91 = tpu.memref_squeeze %dma_wait3A_90 : memref<1x128x32xbf16, #tpu.memory_space<vmem>> -> memref<128x32xbf16, #tpu.memory_space<vmem>>
      %dma_wait3A_92 = arith.constant 0 : i32
      %dma_wait3A_93 = tpu.memref_slice %arg13[%dma_wait3A_86, %scan3A_12, %dma_wait3A_92] : memref<5x50x128xi32, #tpu.memory_space<vmem>> -> memref<1x1x128xi32, #tpu.memory_space<vmem>>
      %dma_wait3A_94 = tpu.memref_squeeze %dma_wait3A_93 : memref<1x1x128xi32, #tpu.memory_space<vmem>> -> memref<128xi32, #tpu.memory_space<vmem>>
      %dma_wait3A_95 = arith.constant 0 : i32
      %dma_wait3A_96 = arith.constant 0 : i32
      %dma_wait3A_97 = tpu.memref_slice %arg3[%dma_wait3A_95, %dma_wait3A_96] : memref<1000x32xbf16, #tpu.memory_space<hbm>> -> memref<1000x32xbf16, #tpu.memory_space<hbm>>
      tpu.wait_indirect_dma semaphore(%arg15 : memref<!tpu.dma_semaphore, #tpu.memory_space<semaphore_mem>>) src(%dma_wait3A_97 : memref<1000x32xbf16, #tpu.memory_space<hbm>>) dst(%dma_wait3A_91 : memref<128x32xbf16, #tpu.memory_space<vmem>>)
      %dma_wait3A_98 = arith.constant 2 : i32
      %dma_wait3A_99 = arith.constant 2 : i32
      %dma_wait3A_100 = arith.constant 0 : i32
      %dma_wait3A_101 = arith.constant 0 : i32
      %dma_wait3A_102 = tpu.memref_slice %arg14[%dma_wait3A_99, %dma_wait3A_100, %dma_wait3A_101] : memref<5x128x32xbf16, #tpu.memory_space<vmem>> -> memref<1x128x32xbf16, #tpu.memory_space<vmem>>
      %dma_wait3A_103 = tpu.memref_squeeze %dma_wait3A_102 : memref<1x128x32xbf16, #tpu.memory_space<vmem>> -> memref<128x32xbf16, #tpu.memory_space<vmem>>
      %dma_wait3A_104 = arith.constant 0 : i32
      %dma_wait3A_105 = tpu.memref_slice %arg13[%dma_wait3A_98, %scan3A_12, %dma_wait3A_104] : memref<5x50x128xi32, #tpu.memory_space<vmem>> -> memref<1x1x128xi32, #tpu.memory_space<vmem>>
      %dma_wait3A_106 = tpu.memref_squeeze %dma_wait3A_105 : memref<1x1x128xi32, #tpu.memory_space<vmem>> -> memref<128xi32, #tpu.memory_space<vmem>>
      %dma_wait3A_107 = arith.constant 0 : i32
      %dma_wait3A_108 = arith.constant 0 : i32
      %dma_wait3A_109 = tpu.memref_slice %arg4[%dma_wait3A_107, %dma_wait3A_108] : memref<1024x32xbf16, #tpu.memory_space<hbm>> -> memref<1024x32xbf16, #tpu.memory_space<hbm>>
      tpu.wait_indirect_dma semaphore(%arg15 : memref<!tpu.dma_semaphore, #tpu.memory_space<semaphore_mem>>) src(%dma_wait3A_109 : memref<1024x32xbf16, #tpu.memory_space<hbm>>) dst(%dma_wait3A_103 : memref<128x32xbf16, #tpu.memory_space<vmem>>)
      %dma_wait3A_110 = arith.constant 3 : i32
      %dma_wait3A_111 = arith.constant 3 : i32
      %dma_wait3A_112 = arith.constant 0 : i32
      %dma_wait3A_113 = arith.constant 0 : i32
      %dma_wait3A_114 = tpu.memref_slice %arg14[%dma_wait3A_111, %dma_wait3A_112, %dma_wait3A_113] : memref<5x128x32xbf16, #tpu.memory_space<vmem>> -> memref<1x128x32xbf16, #tpu.memory_space<vmem>>
      %dma_wait3A_115 = tpu.memref_squeeze %dma_wait3A_114 : memref<1x128x32xbf16, #tpu.memory_space<vmem>> -> memref<128x32xbf16, #tpu.memory_space<vmem>>
      %dma_wait3A_116 = arith.constant 0 : i32
      %dma_wait3A_117 = tpu.memref_slice %arg13[%dma_wait3A_110, %scan3A_12, %dma_wait3A_116] : memref<5x50x128xi32, #tpu.memory_space<vmem>> -> memref<1x1x128xi32, #tpu.memory_space<vmem>>
      %dma_wait3A_118 = tpu.memref_squeeze %dma_wait3A_117 : memref<1x1x128xi32, #tpu.memory_space<vmem>> -> memref<128xi32, #tpu.memory_space<vmem>>
      %dma_wait3A_119 = arith.constant 0 : i32
      %dma_wait3A_120 = arith.constant 0 : i32
      %dma_wait3A_121 = tpu.memref_slice %arg5[%dma_wait3A_119, %dma_wait3A_120] : memref<1024x32xbf16, #tpu.memory_space<hbm>> -> memref<1024x32xbf16, #tpu.memory_space<hbm>>
      tpu.wait_indirect_dma semaphore(%arg15 : memref<!tpu.dma_semaphore, #tpu.memory_space<semaphore_mem>>) src(%dma_wait3A_121 : memref<1024x32xbf16, #tpu.memory_space<hbm>>) dst(%dma_wait3A_115 : memref<128x32xbf16, #tpu.memory_space<vmem>>)
      %dma_wait3A_122 = arith.constant 4 : i32
      %dma_wait3A_123 = arith.constant 4 : i32
      %dma_wait3A_124 = arith.constant 0 : i32
      %dma_wait3A_125 = arith.constant 0 : i32
      %dma_wait3A_126 = tpu.memref_slice %arg14[%dma_wait3A_123, %dma_wait3A_124, %dma_wait3A_125] : memref<5x128x32xbf16, #tpu.memory_space<vmem>> -> memref<1x128x32xbf16, #tpu.memory_space<vmem>>
      %dma_wait3A_127 = tpu.memref_squeeze %dma_wait3A_126 : memref<1x128x32xbf16, #tpu.memory_space<vmem>> -> memref<128x32xbf16, #tpu.memory_space<vmem>>
      %dma_wait3A_128 = arith.constant 0 : i32
      %dma_wait3A_129 = tpu.memref_slice %arg13[%dma_wait3A_122, %scan3A_12, %dma_wait3A_128] : memref<5x50x128xi32, #tpu.memory_space<vmem>> -> memref<1x1x128xi32, #tpu.memory_space<vmem>>
      %dma_wait3A_130 = tpu.memref_squeeze %dma_wait3A_129 : memref<1x1x128xi32, #tpu.memory_space<vmem>> -> memref<128xi32, #tpu.memory_space<vmem>>
      %dma_wait3A_131 = arith.constant 0 : i32
      %dma_wait3A_132 = arith.constant 0 : i32
      %dma_wait3A_133 = tpu.memref_slice %arg6[%dma_wait3A_131, %dma_wait3A_132] : memref<1000x32xbf16, #tpu.memory_space<hbm>> -> memref<1000x32xbf16, #tpu.memory_space<hbm>>
      tpu.wait_indirect_dma semaphore(%arg15 : memref<!tpu.dma_semaphore, #tpu.memory_space<semaphore_mem>>) src(%dma_wait3A_133 : memref<1000x32xbf16, #tpu.memory_space<hbm>>) dst(%dma_wait3A_127 : memref<128x32xbf16, #tpu.memory_space<vmem>>)
      %run_scoped3A_134 = arith.constant 0 : i32
      "tpu.region"() ({
        %run_scoped3A_139 = tpu.sem_alloc : memref<!tpu.dma_semaphore, #tpu.memory_space<semaphore_mem>>
        %dma_start3A_140 = arith.constant 0 : i32
        %dma_start3A_141 = arith.constant 0 : i32
        %dma_start3A_142 = tpu.memref_slice %arg14[%run_scoped3A_134, %dma_start3A_140, %dma_start3A_141] : memref<5x128x32xbf16, #tpu.memory_space<vmem>> -> memref<1x128x32xbf16, #tpu.memory_space<vmem>>
        %dma_start3A_143 = tpu.memref_squeeze %dma_start3A_142 : memref<1x128x32xbf16, #tpu.memory_space<vmem>> -> memref<128x32xbf16, #tpu.memory_space<vmem>>
        %dma_start3A_144 = arith.constant 0 : i32
        %dma_start3A_145 = tpu.memref_slice %arg12[%add3A_15, %dma_start3A_144] : memref<204800x160xbf16, #tpu.memory_space<hbm>> -> memref<128x32xbf16, #tpu.memory_space<hbm>>
        %dma_start3A_146 = arith.constant 0 : i32
        %dma_start3A_147 = tpu.memref_slice %arg12[%add3A_15, %dma_start3A_146] : memref<204800x160xbf16, #tpu.memory_space<hbm>> -> memref<128x32xbf16, #tpu.memory_space<hbm>>
        %dma_start3A_148 = arith.constant 0 : i32
        %dma_start3A_149 = arith.constant 0 : i32
        %dma_start3A_150 = tpu.memref_slice %arg14[%run_scoped3A_134, %dma_start3A_148, %dma_start3A_149] : memref<5x128x32xbf16, #tpu.memory_space<vmem>> -> memref<1x128x32xbf16, #tpu.memory_space<vmem>>
        %dma_start3A_151 = tpu.memref_squeeze %dma_start3A_150 : memref<1x128x32xbf16, #tpu.memory_space<vmem>> -> memref<128x32xbf16, #tpu.memory_space<vmem>>
        tpu.enqueue_dma source(%dma_start3A_151 : memref<128x32xbf16, #tpu.memory_space<vmem>>) target(%dma_start3A_147 : memref<128x32xbf16, #tpu.memory_space<hbm>>) target_semaphore(%run_scoped3A_139 : memref<!tpu.dma_semaphore, #tpu.memory_space<semaphore_mem>>)
        %dma_wait3A_152 = arith.constant 0 : i32
        %dma_wait3A_153 = arith.constant 0 : i32
        %dma_wait3A_154 = tpu.memref_slice %arg14[%run_scoped3A_134, %dma_wait3A_152, %dma_wait3A_153] : memref<5x128x32xbf16, #tpu.memory_space<vmem>> -> memref<1x128x32xbf16, #tpu.memory_space<vmem>>
        %dma_wait3A_155 = tpu.memref_squeeze %dma_wait3A_154 : memref<1x128x32xbf16, #tpu.memory_space<vmem>> -> memref<128x32xbf16, #tpu.memory_space<vmem>>
        %dma_wait3A_156 = arith.constant 0 : i32
        %dma_wait3A_157 = tpu.memref_slice %arg12[%add3A_15, %dma_wait3A_156] : memref<204800x160xbf16, #tpu.memory_space<hbm>> -> memref<128x32xbf16, #tpu.memory_space<hbm>>
        %dma_wait3A_158 = arith.constant 0 : i32
        %dma_wait3A_159 = tpu.memref_slice %arg12[%add3A_15, %dma_wait3A_158] : memref<204800x160xbf16, #tpu.memory_space<hbm>> -> memref<128x32xbf16, #tpu.memory_space<hbm>>
        %dma_wait3A_160 = arith.constant 0 : i32
        %dma_wait3A_161 = arith.constant 0 : i32
        %dma_wait3A_162 = tpu.memref_slice %arg14[%run_scoped3A_134, %dma_wait3A_160, %dma_wait3A_161] : memref<5x128x32xbf16, #tpu.memory_space<vmem>> -> memref<1x128x32xbf16, #tpu.memory_space<vmem>>
        %dma_wait3A_163 = tpu.memref_squeeze %dma_wait3A_162 : memref<1x128x32xbf16, #tpu.memory_space<vmem>> -> memref<128x32xbf16, #tpu.memory_space<vmem>>
        tpu.wait_dma2 semaphore(%run_scoped3A_139 : memref<!tpu.dma_semaphore, #tpu.memory_space<semaphore_mem>>) src(%dma_wait3A_163 : memref<128x32xbf16, #tpu.memory_space<vmem>>) dst(%dma_wait3A_159 : memref<128x32xbf16, #tpu.memory_space<hbm>>)
        tpu.yield
      }) : () -> ()
      %run_scoped3A_135 = arith.constant 1 : i32
      "tpu.region"() ({
        %run_scoped3A_139 = tpu.sem_alloc : memref<!tpu.dma_semaphore, #tpu.memory_space<semaphore_mem>>
        %dma_start3A_140 = arith.constant 0 : i32
        %dma_start3A_141 = arith.constant 0 : i32
        %dma_start3A_142 = tpu.memref_slice %arg14[%run_scoped3A_135, %dma_start3A_140, %dma_start3A_141] : memref<5x128x32xbf16, #tpu.memory_space<vmem>> -> memref<1x128x32xbf16, #tpu.memory_space<vmem>>
        %dma_start3A_143 = tpu.memref_squeeze %dma_start3A_142 : memref<1x128x32xbf16, #tpu.memory_space<vmem>> -> memref<128x32xbf16, #tpu.memory_space<vmem>>
        %dma_start3A_144 = arith.constant 32 : i32
        %dma_start3A_145 = tpu.memref_slice %arg12[%add3A_15, %dma_start3A_144] : memref<204800x160xbf16, #tpu.memory_space<hbm>> -> memref<128x32xbf16, #tpu.memory_space<hbm>>
        %dma_start3A_146 = arith.constant 32 : i32
        %dma_start3A_147 = tpu.memref_slice %arg12[%add3A_15, %dma_start3A_146] : memref<204800x160xbf16, #tpu.memory_space<hbm>> -> memref<128x32xbf16, #tpu.memory_space<hbm>>
        %dma_start3A_148 = arith.constant 0 : i32
        %dma_start3A_149 = arith.constant 0 : i32
        %dma_start3A_150 = tpu.memref_slice %arg14[%run_scoped3A_135, %dma_start3A_148, %dma_start3A_149] : memref<5x128x32xbf16, #tpu.memory_space<vmem>> -> memref<1x128x32xbf16, #tpu.memory_space<vmem>>
        %dma_start3A_151 = tpu.memref_squeeze %dma_start3A_150 : memref<1x128x32xbf16, #tpu.memory_space<vmem>> -> memref<128x32xbf16, #tpu.memory_space<vmem>>
        tpu.enqueue_dma source(%dma_start3A_151 : memref<128x32xbf16, #tpu.memory_space<vmem>>) target(%dma_start3A_147 : memref<128x32xbf16, #tpu.memory_space<hbm>>) target_semaphore(%run_scoped3A_139 : memref<!tpu.dma_semaphore, #tpu.memory_space<semaphore_mem>>)
        %dma_wait3A_152 = arith.constant 0 : i32
        %dma_wait3A_153 = arith.constant 0 : i32
        %dma_wait3A_154 = tpu.memref_slice %arg14[%run_scoped3A_135, %dma_wait3A_152, %dma_wait3A_153] : memref<5x128x32xbf16, #tpu.memory_space<vmem>> -> memref<1x128x32xbf16, #tpu.memory_space<vmem>>
        %dma_wait3A_155 = tpu.memref_squeeze %dma_wait3A_154 : memref<1x128x32xbf16, #tpu.memory_space<vmem>> -> memref<128x32xbf16, #tpu.memory_space<vmem>>
        %dma_wait3A_156 = arith.constant 32 : i32
        %dma_wait3A_157 = tpu.memref_slice %arg12[%add3A_15, %dma_wait3A_156] : memref<204800x160xbf16, #tpu.memory_space<hbm>> -> memref<128x32xbf16, #tpu.memory_space<hbm>>
        %dma_wait3A_158 = arith.constant 32 : i32
        %dma_wait3A_159 = tpu.memref_slice %arg12[%add3A_15, %dma_wait3A_158] : memref<204800x160xbf16, #tpu.memory_space<hbm>> -> memref<128x32xbf16, #tpu.memory_space<hbm>>
        %dma_wait3A_160 = arith.constant 0 : i32
        %dma_wait3A_161 = arith.constant 0 : i32
        %dma_wait3A_162 = tpu.memref_slice %arg14[%run_scoped3A_135, %dma_wait3A_160, %dma_wait3A_161] : memref<5x128x32xbf16, #tpu.memory_space<vmem>> -> memref<1x128x32xbf16, #tpu.memory_space<vmem>>
        %dma_wait3A_163 = tpu.memref_squeeze %dma_wait3A_162 : memref<1x128x32xbf16, #tpu.memory_space<vmem>> -> memref<128x32xbf16, #tpu.memory_space<vmem>>
        tpu.wait_dma2 semaphore(%run_scoped3A_139 : memref<!tpu.dma_semaphore, #tpu.memory_space<semaphore_mem>>) src(%dma_wait3A_163 : memref<128x32xbf16, #tpu.memory_space<vmem>>) dst(%dma_wait3A_159 : memref<128x32xbf16, #tpu.memory_space<hbm>>)
        tpu.yield
      }) : () -> ()
      %run_scoped3A_136 = arith.constant 2 : i32
      "tpu.region"() ({
        %run_scoped3A_139 = tpu.sem_alloc : memref<!tpu.dma_semaphore, #tpu.memory_space<semaphore_mem>>
        %dma_start3A_140 = arith.constant 0 : i32
        %dma_start3A_141 = arith.constant 0 : i32
        %dma_start3A_142 = tpu.memref_slice %arg14[%run_scoped3A_136, %dma_start3A_140, %dma_start3A_141] : memref<5x128x32xbf16, #tpu.memory_space<vmem>> -> memref<1x128x32xbf16, #tpu.memory_space<vmem>>
        %dma_start3A_143 = tpu.memref_squeeze %dma_start3A_142 : memref<1x128x32xbf16, #tpu.memory_space<vmem>> -> memref<128x32xbf16, #tpu.memory_space<vmem>>
        %dma_start3A_144 = arith.constant 64 : i32
        %dma_start3A_145 = tpu.memref_slice %arg12[%add3A_15, %dma_start3A_144] : memref<204800x160xbf16, #tpu.memory_space<hbm>> -> memref<128x32xbf16, #tpu.memory_space<hbm>>
        %dma_start3A_146 = arith.constant 64 : i32
        %dma_start3A_147 = tpu.memref_slice %arg12[%add3A_15, %dma_start3A_146] : memref<204800x160xbf16, #tpu.memory_space<hbm>> -> memref<128x32xbf16, #tpu.memory_space<hbm>>
        %dma_start3A_148 = arith.constant 0 : i32
        %dma_start3A_149 = arith.constant 0 : i32
        %dma_start3A_150 = tpu.memref_slice %arg14[%run_scoped3A_136, %dma_start3A_148, %dma_start3A_149] : memref<5x128x32xbf16, #tpu.memory_space<vmem>> -> memref<1x128x32xbf16, #tpu.memory_space<vmem>>
        %dma_start3A_151 = tpu.memref_squeeze %dma_start3A_150 : memref<1x128x32xbf16, #tpu.memory_space<vmem>> -> memref<128x32xbf16, #tpu.memory_space<vmem>>
        tpu.enqueue_dma source(%dma_start3A_151 : memref<128x32xbf16, #tpu.memory_space<vmem>>) target(%dma_start3A_147 : memref<128x32xbf16, #tpu.memory_space<hbm>>) target_semaphore(%run_scoped3A_139 : memref<!tpu.dma_semaphore, #tpu.memory_space<semaphore_mem>>)
        %dma_wait3A_152 = arith.constant 0 : i32
        %dma_wait3A_153 = arith.constant 0 : i32
        %dma_wait3A_154 = tpu.memref_slice %arg14[%run_scoped3A_136, %dma_wait3A_152, %dma_wait3A_153] : memref<5x128x32xbf16, #tpu.memory_space<vmem>> -> memref<1x128x32xbf16, #tpu.memory_space<vmem>>
        %dma_wait3A_155 = tpu.memref_squeeze %dma_wait3A_154 : memref<1x128x32xbf16, #tpu.memory_space<vmem>> -> memref<128x32xbf16, #tpu.memory_space<vmem>>
        %dma_wait3A_156 = arith.constant 64 : i32
        %dma_wait3A_157 = tpu.memref_slice %arg12[%add3A_15, %dma_wait3A_156] : memref<204800x160xbf16, #tpu.memory_space<hbm>> -> memref<128x32xbf16, #tpu.memory_space<hbm>>
        %dma_wait3A_158 = arith.constant 64 : i32
        %dma_wait3A_159 = tpu.memref_slice %arg12[%add3A_15, %dma_wait3A_158] : memref<204800x160xbf16, #tpu.memory_space<hbm>> -> memref<128x32xbf16, #tpu.memory_space<hbm>>
        %dma_wait3A_160 = arith.constant 0 : i32
        %dma_wait3A_161 = arith.constant 0 : i32
        %dma_wait3A_162 = tpu.memref_slice %arg14[%run_scoped3A_136, %dma_wait3A_160, %dma_wait3A_161] : memref<5x128x32xbf16, #tpu.memory_space<vmem>> -> memref<1x128x32xbf16, #tpu.memory_space<vmem>>
        %dma_wait3A_163 = tpu.memref_squeeze %dma_wait3A_162 : memref<1x128x32xbf16, #tpu.memory_space<vmem>> -> memref<128x32xbf16, #tpu.memory_space<vmem>>
        tpu.wait_dma2 semaphore(%run_scoped3A_139 : memref<!tpu.dma_semaphore, #tpu.memory_space<semaphore_mem>>) src(%dma_wait3A_163 : memref<128x32xbf16, #tpu.memory_space<vmem>>) dst(%dma_wait3A_159 : memref<128x32xbf16, #tpu.memory_space<hbm>>)
        tpu.yield
      }) : () -> ()
      %run_scoped3A_137 = arith.constant 3 : i32
      "tpu.region"() ({
        %run_scoped3A_139 = tpu.sem_alloc : memref<!tpu.dma_semaphore, #tpu.memory_space<semaphore_mem>>
        %dma_start3A_140 = arith.constant 0 : i32
        %dma_start3A_141 = arith.constant 0 : i32
        %dma_start3A_142 = tpu.memref_slice %arg14[%run_scoped3A_137, %dma_start3A_140, %dma_start3A_141] : memref<5x128x32xbf16, #tpu.memory_space<vmem>> -> memref<1x128x32xbf16, #tpu.memory_space<vmem>>
        %dma_start3A_143 = tpu.memref_squeeze %dma_start3A_142 : memref<1x128x32xbf16, #tpu.memory_space<vmem>> -> memref<128x32xbf16, #tpu.memory_space<vmem>>
        %dma_start3A_144 = arith.constant 96 : i32
        %dma_start3A_145 = tpu.memref_slice %arg12[%add3A_15, %dma_start3A_144] : memref<204800x160xbf16, #tpu.memory_space<hbm>> -> memref<128x32xbf16, #tpu.memory_space<hbm>>
        %dma_start3A_146 = arith.constant 96 : i32
        %dma_start3A_147 = tpu.memref_slice %arg12[%add3A_15, %dma_start3A_146] : memref<204800x160xbf16, #tpu.memory_space<hbm>> -> memref<128x32xbf16, #tpu.memory_space<hbm>>
        %dma_start3A_148 = arith.constant 0 : i32
        %dma_start3A_149 = arith.constant 0 : i32
        %dma_start3A_150 = tpu.memref_slice %arg14[%run_scoped3A_137, %dma_start3A_148, %dma_start3A_149] : memref<5x128x32xbf16, #tpu.memory_space<vmem>> -> memref<1x128x32xbf16, #tpu.memory_space<vmem>>
        %dma_start3A_151 = tpu.memref_squeeze %dma_start3A_150 : memref<1x128x32xbf16, #tpu.memory_space<vmem>> -> memref<128x32xbf16, #tpu.memory_space<vmem>>
        tpu.enqueue_dma source(%dma_start3A_151 : memref<128x32xbf16, #tpu.memory_space<vmem>>) target(%dma_start3A_147 : memref<128x32xbf16, #tpu.memory_space<hbm>>) target_semaphore(%run_scoped3A_139 : memref<!tpu.dma_semaphore, #tpu.memory_space<semaphore_mem>>)
        %dma_wait3A_152 = arith.constant 0 : i32
        %dma_wait3A_153 = arith.constant 0 : i32
        %dma_wait3A_154 = tpu.memref_slice %arg14[%run_scoped3A_137, %dma_wait3A_152, %dma_wait3A_153] : memref<5x128x32xbf16, #tpu.memory_space<vmem>> -> memref<1x128x32xbf16, #tpu.memory_space<vmem>>
        %dma_wait3A_155 = tpu.memref_squeeze %dma_wait3A_154 : memref<1x128x32xbf16, #tpu.memory_space<vmem>> -> memref<128x32xbf16, #tpu.memory_space<vmem>>
        %dma_wait3A_156 = arith.constant 96 : i32
        %dma_wait3A_157 = tpu.memref_slice %arg12[%add3A_15, %dma_wait3A_156] : memref<204800x160xbf16, #tpu.memory_space<hbm>> -> memref<128x32xbf16, #tpu.memory_space<hbm>>
        %dma_wait3A_158 = arith.constant 96 : i32
        %dma_wait3A_159 = tpu.memref_slice %arg12[%add3A_15, %dma_wait3A_158] : memref<204800x160xbf16, #tpu.memory_space<hbm>> -> memref<128x32xbf16, #tpu.memory_space<hbm>>
        %dma_wait3A_160 = arith.constant 0 : i32
        %dma_wait3A_161 = arith.constant 0 : i32
        %dma_wait3A_162 = tpu.memref_slice %arg14[%run_scoped3A_137, %dma_wait3A_160, %dma_wait3A_161] : memref<5x128x32xbf16, #tpu.memory_space<vmem>> -> memref<1x128x32xbf16, #tpu.memory_space<vmem>>
        %dma_wait3A_163 = tpu.memref_squeeze %dma_wait3A_162 : memref<1x128x32xbf16, #tpu.memory_space<vmem>> -> memref<128x32xbf16, #tpu.memory_space<vmem>>
        tpu.wait_dma2 semaphore(%run_scoped3A_139 : memref<!tpu.dma_semaphore, #tpu.memory_space<semaphore_mem>>) src(%dma_wait3A_163 : memref<128x32xbf16, #tpu.memory_space<vmem>>) dst(%dma_wait3A_159 : memref<128x32xbf16, #tpu.memory_space<hbm>>)
        tpu.yield
      }) : () -> ()
      %run_scoped3A_138 = arith.constant 4 : i32
      "tpu.region"() ({
        %run_scoped3A_139 = tpu.sem_alloc : memref<!tpu.dma_semaphore, #tpu.memory_space<semaphore_mem>>
        %dma_start3A_140 = arith.constant 0 : i32
        %dma_start3A_141 = arith.constant 0 : i32
        %dma_start3A_142 = tpu.memref_slice %arg14[%run_scoped3A_138, %dma_start3A_140, %dma_start3A_141] : memref<5x128x32xbf16, #tpu.memory_space<vmem>> -> memref<1x128x32xbf16, #tpu.memory_space<vmem>>
        %dma_start3A_143 = tpu.memref_squeeze %dma_start3A_142 : memref<1x128x32xbf16, #tpu.memory_space<vmem>> -> memref<128x32xbf16, #tpu.memory_space<vmem>>
        %dma_start3A_144 = arith.constant 128 : i32
        %dma_start3A_145 = tpu.memref_slice %arg12[%add3A_15, %dma_start3A_144] : memref<204800x160xbf16, #tpu.memory_space<hbm>> -> memref<128x32xbf16, #tpu.memory_space<hbm>>
        %dma_start3A_146 = arith.constant 128 : i32
        %dma_start3A_147 = tpu.memref_slice %arg12[%add3A_15, %dma_start3A_146] : memref<204800x160xbf16, #tpu.memory_space<hbm>> -> memref<128x32xbf16, #tpu.memory_space<hbm>>
        %dma_start3A_148 = arith.constant 0 : i32
        %dma_start3A_149 = arith.constant 0 : i32
        %dma_start3A_150 = tpu.memref_slice %arg14[%run_scoped3A_138, %dma_start3A_148, %dma_start3A_149] : memref<5x128x32xbf16, #tpu.memory_space<vmem>> -> memref<1x128x32xbf16, #tpu.memory_space<vmem>>
        %dma_start3A_151 = tpu.memref_squeeze %dma_start3A_150 : memref<1x128x32xbf16, #tpu.memory_space<vmem>> -> memref<128x32xbf16, #tpu.memory_space<vmem>>
        tpu.enqueue_dma source(%dma_start3A_151 : memref<128x32xbf16, #tpu.memory_space<vmem>>) target(%dma_start3A_147 : memref<128x32xbf16, #tpu.memory_space<hbm>>) target_semaphore(%run_scoped3A_139 : memref<!tpu.dma_semaphore, #tpu.memory_space<semaphore_mem>>)
        %dma_wait3A_152 = arith.constant 0 : i32
        %dma_wait3A_153 = arith.constant 0 : i32
        %dma_wait3A_154 = tpu.memref_slice %arg14[%run_scoped3A_138, %dma_wait3A_152, %dma_wait3A_153] : memref<5x128x32xbf16, #tpu.memory_space<vmem>> -> memref<1x128x32xbf16, #tpu.memory_space<vmem>>
        %dma_wait3A_155 = tpu.memref_squeeze %dma_wait3A_154 : memref<1x128x32xbf16, #tpu.memory_space<vmem>> -> memref<128x32xbf16, #tpu.memory_space<vmem>>
        %dma_wait3A_156 = arith.constant 128 : i32
        %dma_wait3A_157 = tpu.memref_slice %arg12[%add3A_15, %dma_wait3A_156] : memref<204800x160xbf16, #tpu.memory_space<hbm>> -> memref<128x32xbf16, #tpu.memory_space<hbm>>
        %dma_wait3A_158 = arith.constant 128 : i32
        %dma_wait3A_159 = tpu.memref_slice %arg12[%add3A_15, %dma_wait3A_158] : memref<204800x160xbf16, #tpu.memory_space<hbm>> -> memref<128x32xbf16, #tpu.memory_space<hbm>>
        %dma_wait3A_160 = arith.constant 0 : i32
        %dma_wait3A_161 = arith.constant 0 : i32
        %dma_wait3A_162 = tpu.memref_slice %arg14[%run_scoped3A_138, %dma_wait3A_160, %dma_wait3A_161] : memref<5x128x32xbf16, #tpu.memory_space<vmem>> -> memref<1x128x32xbf16, #tpu.memory_space<vmem>>
        %dma_wait3A_163 = tpu.memref_squeeze %dma_wait3A_162 : memref<1x128x32xbf16, #tpu.memory_space<vmem>> -> memref<128x32xbf16, #tpu.memory_space<vmem>>
        tpu.wait_dma2 semaphore(%run_scoped3A_139 : memref<!tpu.dma_semaphore, #tpu.memory_space<semaphore_mem>>) src(%dma_wait3A_163 : memref<128x32xbf16, #tpu.memory_space<vmem>>) dst(%dma_wait3A_159 : memref<128x32xbf16, #tpu.memory_space<hbm>>)
        tpu.yield
      }) : () -> ()
    }
    %scan3A_11 = arith.constant 50 : i32
    return
  }
}

module attributes {stable_mosaic.version = 14 : i64} {
  func.func @_gru_step_body(%arg0: i32, %arg1: memref<1x4096x160xbf16, #tpu.memory_space<vmem>>, %arg2: memref<1x4096x1xf32, #tpu.memory_space<vmem>>, %arg3: memref<256x160xbf16, #tpu.memory_space<vmem>>, %arg4: memref<1x256xf32, #tpu.memory_space<vmem>>, %arg5: memref<256x64xbf16, #tpu.memory_space<vmem>>, %arg6: memref<1x256xf32, #tpu.memory_space<vmem>>, %arg7: memref<32x64xf32, #tpu.memory_space<vmem>>, %arg8: memref<1x32xf32, #tpu.memory_space<vmem>>, %arg9: memref<1x32xf32, #tpu.memory_space<vmem>>, %arg10: memref<1x1xf32, #tpu.memory_space<vmem>>, %arg11: memref<4096x1xf32, #tpu.memory_space<vmem>>, %arg12: memref<4096x64xf32, #tpu.memory_space<vmem>>) attributes {dimension_semantics = [#tpu.dimension_semantics<arbitrary>], iteration_bounds = array<i64: 50>, scalar_prefetch = 0 : i64, scratch_operands = 1 : i64, tpu.core_type = #tpu.core_type<tc>, window_params = [{transform_indices = @transform_0, window_bounds = array<i64: 1, 4096, 160>}, {transform_indices = @transform_1, window_bounds = array<i64: 1, 4096, 1>}, {pipeline_mode = #tpu.pipeline_mode<synchronous>, transform_indices = @transform_2, window_bounds = array<i64: 256, 160>}, {pipeline_mode = #tpu.pipeline_mode<synchronous>, transform_indices = @transform_3, window_bounds = array<i64: 1, 256>}, {pipeline_mode = #tpu.pipeline_mode<synchronous>, transform_indices = @transform_4, window_bounds = array<i64: 256, 64>}, {pipeline_mode = #tpu.pipeline_mode<synchronous>, transform_indices = @transform_5, window_bounds = array<i64: 1, 256>}, {pipeline_mode = #tpu.pipeline_mode<synchronous>, transform_indices = @transform_6, window_bounds = array<i64: 32, 64>}, {pipeline_mode = #tpu.pipeline_mode<synchronous>, transform_indices = @transform_7, window_bounds = array<i64: 1, 32>}, {pipeline_mode = #tpu.pipeline_mode<synchronous>, transform_indices = @transform_8, window_bounds = array<i64: 1, 32>}, {pipeline_mode = #tpu.pipeline_mode<synchronous>, transform_indices = @transform_9, window_bounds = array<i64: 1, 1>}, {pipeline_mode = #tpu.pipeline_mode<synchronous>, transform_indices = @transform_10, window_bounds = array<i64: 4096, 1>}]} {
    %eq3A = arith.constant 0 : i32
    %eq3A_0 = arith.cmpi eq, %arg0, %eq3A : i32
    %convert_element_type3A = arith.extui %eq3A_0 : i1 to i32
    %cond3A = arith.constant 0 : i32
    %cond3A_1 = arith.cmpi ne, %convert_element_type3A, %cond3A : i32
    scf.if %cond3A_1 {
      %broadcast_in_dim3A = arith.constant 0.000000e+00 : f32
      %broadcast_in_dim3A_55 = vector.broadcast %broadcast_in_dim3A : f32 to vector<4096x64xf32>
      %swap3A_56 = arith.constant 0 : index
      %swap3A_57 = arith.constant 0 : index
      %swap3A_58 = vector.load %arg12[%swap3A_56, %swap3A_57] : memref<4096x64xf32, #tpu.memory_space<vmem>>, vector<4096x64xf32>
      tpu.vector_store %arg12[%swap3A_56, %swap3A_57], %broadcast_in_dim3A_55 {strides = array<i32>} : memref<4096x64xf32, #tpu.memory_space<vmem>>, vector<4096x64xf32>,
    } else {
    }
    %get3A = arith.constant 0 : index
    %get3A_2 = arith.constant 0 : index
    %get3A_3 = vector.load %arg12[%get3A, %get3A_2] : memref<4096x64xf32, #tpu.memory_space<vmem>>, vector<4096x64xf32>
    %get3A_4 = arith.constant 0 : index
    %get3A_5 = arith.constant 0 : index
    %get3A_6 = arith.constant 0 : index
    %get3A_7 = vector.load %arg1[%get3A_4, %get3A_5, %get3A_6] : memref<1x4096x160xbf16, #tpu.memory_space<vmem>>, vector<1x4096x160xbf16>
    %get3A_8 = vector.shape_cast %get3A_7 : vector<1x4096x160xbf16> to vector<4096x160xbf16>
    %get3A_9 = arith.constant 0 : index
    %get3A_10 = arith.constant 0 : index
    %get3A_11 = vector.load %arg3[%get3A_9, %get3A_10] : memref<256x160xbf16, #tpu.memory_space<vmem>>, vector<256x160xbf16>
    %dot_general3A = arith.constant dense<0.000000e+00> : vector<4096x256xf32>
    %dot_general3A_12 = tpu.matmul %get3A_8, %get3A_11, %dot_general3A {dimension_numbers = #tpu.dot_dimension_numbers<[1], [1], [0], [0], [0, 0, 1, 0], [], []>, transpose_lhs_hint = false} : vector<4096x160xbf16>, vector<256x160xbf16>, vector<4096x256xf32> -> vector<4096x256xf32>
    %get3A_13 = arith.constant 0 : index
    %get3A_14 = arith.constant 0 : index
    %get3A_15 = arith.constant 0 : index
    %get3A_16 = vector.load %arg2[%get3A_13, %get3A_14, %get3A_15] : memref<1x4096x1xf32, #tpu.memory_space<vmem>>, vector<1x4096x1xf32>
    %get3A_17 = vector.shape_cast %get3A_16 : vector<1x4096x1xf32> to vector<4096x1xf32>
    %get3A_18 = arith.constant 0 : index
    %get3A_19 = arith.constant 0 : index
    %get3A_20 = vector.load %arg4[%get3A_18, %get3A_19] : memref<1x256xf32, #tpu.memory_space<vmem>>, vector<1x256xf32>
    %mul3A = vector.broadcast %get3A_17 : vector<4096x1xf32> to vector<4096x256xf32>
    %mul3A_21 = vector.broadcast %get3A_20 : vector<1x256xf32> to vector<4096x256xf32>
    %mul3A_22 = arith.mulf %mul3A, %mul3A_21 : vector<4096x256xf32>
    %add3A = arith.addf %dot_general3A_12, %mul3A_22 : vector<4096x256xf32>
    %convert_element_type3A_23 = arith.truncf %get3A_3 : vector<4096x64xf32> to vector<4096x64xbf16>
    %get3A_24 = arith.constant 0 : index
    %get3A_25 = arith.constant 0 : index
    %get3A_26 = vector.load %arg5[%get3A_24, %get3A_25] : memref<256x64xbf16, #tpu.memory_space<vmem>>, vector<256x64xbf16>
    %dot_general3A_27 = arith.constant dense<0.000000e+00> : vector<4096x256xf32>
    %dot_general3A_28 = tpu.matmul %convert_element_type3A_23, %get3A_26, %dot_general3A_27 {dimension_numbers = #tpu.dot_dimension_numbers<[1], [1], [0], [0], [0, 0, 1, 0], [], []>, transpose_lhs_hint = false} : vector<4096x64xbf16>, vector<256x64xbf16>, vector<4096x256xf32> -> vector<4096x256xf32>
    %add3A_29 = arith.addf %add3A, %dot_general3A_28 : vector<4096x256xf32>
    %get3A_30 = arith.constant 0 : index
    %get3A_31 = arith.constant 0 : index
    %get3A_32 = vector.load %arg6[%get3A_30, %get3A_31] : memref<1x256xf32, #tpu.memory_space<vmem>>, vector<1x256xf32>
    %add3A_33 = vector.broadcast %get3A_32 : vector<1x256xf32> to vector<4096x256xf32>
    %add3A_34 = arith.addf %add3A_29, %add3A_33 : vector<4096x256xf32>
    %slice3A = vector.extract_strided_slice %add3A_34 {offsets = [0, 0], sizes = [4096, 128], strides = [1, 1]} : vector<4096x256xf32> to vector<4096x128xf32>
    %logistic3A = arith.negf %slice3A : vector<4096x128xf32>
    %logistic3A_35 = math.exp %logistic3A : vector<4096x128xf32>
    %logistic3A_36 = arith.constant 1.000000e+00 : f32
    %logistic3A_37 = vector.broadcast %logistic3A_36 : f32 to vector<4096x128xf32>
    %logistic3A_38 = arith.addf %logistic3A_37, %logistic3A_35 : vector<4096x128xf32>
    %logistic3A_39 = arith.divf %logistic3A_37, %logistic3A_38 : vector<4096x128xf32>
    %slice3A_40 = vector.extract_strided_slice %logistic3A_39 {offsets = [0, 0], sizes = [4096, 64], strides = [1, 1]} : vector<4096x128xf32> to vector<4096x64xf32>
    %slice3A_41 = vector.extract_strided_slice %logistic3A_39 {offsets = [0, 64], sizes = [4096, 64], strides = [1, 1]} : vector<4096x128xf32> to vector<4096x64xf32>
    %slice3A_42 = vector.extract_strided_slice %add3A_34 {offsets = [0, 128], sizes = [4096, 64], strides = [1, 1]} : vector<4096x256xf32> to vector<4096x64xf32>
    %slice3A_43 = vector.extract_strided_slice %add3A_34 {offsets = [0, 192], sizes = [4096, 64], strides = [1, 1]} : vector<4096x256xf32> to vector<4096x64xf32>
    %mul3A_44 = arith.mulf %slice3A_40, %slice3A_43 : vector<4096x64xf32>
    %add3A_45 = arith.addf %slice3A_42, %mul3A_44 : vector<4096x64xf32>
    %tanh3A = math.tanh %add3A_45 : vector<4096x64xf32>
    %sub3A = arith.subf %get3A_3, %tanh3A : vector<4096x64xf32>
    %mul3A_46 = arith.mulf %slice3A_41, %sub3A : vector<4096x64xf32>
    %add3A_47 = arith.addf %tanh3A, %mul3A_46 : vector<4096x64xf32>
    %swap3A = arith.constant 0 : index
    %swap3A_48 = arith.constant 0 : index
    %swap3A_49 = vector.load %arg12[%swap3A, %swap3A_48] : memref<4096x64xf32, #tpu.memory_space<vmem>>, vector<4096x64xf32>
    tpu.vector_store %arg12[%swap3A, %swap3A_48], %add3A_47 {strides = array<i32>} : memref<4096x64xf32, #tpu.memory_space<vmem>>, vector<4096x64xf32>,
    %eq3A_50 = arith.constant 49 : i32
    %eq3A_51 = arith.cmpi eq, %arg0, %eq3A_50 : i32
    %convert_element_type3A_52 = arith.extui %eq3A_51 : i1 to i32
    %cond3A_53 = arith.constant 0 : i32
    %cond3A_54 = arith.cmpi ne, %convert_element_type3A_52, %cond3A_53 : i32
    scf.if %cond3A_54 {
      %get3A_55 = arith.constant 0 : index
      %get3A_56 = arith.constant 0 : index
      %get3A_57 = vector.load %arg7[%get3A_55, %get3A_56] : memref<32x64xf32, #tpu.memory_space<vmem>>, vector<32x64xf32>
      %dot_general3A_58 = arith.constant dense<0.000000e+00> : vector<4096x32xf32>
      %dot_general3A_59 = tpu.matmul %add3A_47, %get3A_57, %dot_general3A_58 {dimension_numbers = #tpu.dot_dimension_numbers<[1], [1], [0], [0], [0, 0, 1, 0], [], []>, transpose_lhs_hint = false} : vector<4096x64xf32>, vector<32x64xf32>, vector<4096x32xf32> -> vector<4096x32xf32>
      %get3A_60 = arith.constant 0 : index
      %get3A_61 = arith.constant 0 : index
      %get3A_62 = vector.load %arg8[%get3A_60, %get3A_61] : memref<1x32xf32, #tpu.memory_space<vmem>>, vector<1x32xf32>
      %add3A_63 = vector.broadcast %get3A_62 : vector<1x32xf32> to vector<4096x32xf32>
      %add3A_64 = arith.addf %dot_general3A_59, %add3A_63 : vector<4096x32xf32>
      %max3A = arith.constant 0.000000e+00 : f32
      %max3A_65 = vector.broadcast %max3A : f32 to vector<4096x32xf32>
      %max3A_66 = arith.maximumf %add3A_64, %max3A_65 : vector<4096x32xf32>
      %get3A_67 = arith.constant 0 : index
      %get3A_68 = arith.constant 0 : index
      %get3A_69 = vector.load %arg9[%get3A_67, %get3A_68] : memref<1x32xf32, #tpu.memory_space<vmem>>, vector<1x32xf32>
      %mul3A_70 = vector.broadcast %get3A_69 : vector<1x32xf32> to vector<4096x32xf32>
      %mul3A_71 = arith.mulf %max3A_66, %mul3A_70 : vector<4096x32xf32>
      %reduce_sum3A = arith.constant dense<0.000000e+00> : vector<4096xf32>
      %reduce_sum3A_72 = vector.multi_reduction <add>, %mul3A_71, %reduce_sum3A [1] : vector<4096x32xf32> to vector<4096xf32>
      %broadcast_in_dim3A = vector.shape_cast %reduce_sum3A_72 : vector<4096xf32> to vector<4096x1xf32>
      %get3A_73 = arith.constant 0 : index
      %get3A_74 = arith.constant 0 : index
      %get3A_75 = vector.load %arg10[%get3A_73, %get3A_74] : memref<1x1xf32, #tpu.memory_space<vmem>>, vector<1x1xf32>
      %get3A_76 = vector.extract %get3A_75[0, 0] : f32 from vector<1x1xf32>
      %add3A_77 = vector.broadcast %get3A_76 : f32 to vector<4096x1xf32>
      %add3A_78 = arith.addf %broadcast_in_dim3A, %add3A_77 : vector<4096x1xf32>
      %logistic3A_79 = arith.negf %add3A_78 : vector<4096x1xf32>
      %logistic3A_80 = math.exp %logistic3A_79 : vector<4096x1xf32>
      %logistic3A_81 = arith.constant 1.000000e+00 : f32
      %logistic3A_82 = vector.broadcast %logistic3A_81 : f32 to vector<4096x1xf32>
      %logistic3A_83 = arith.addf %logistic3A_82, %logistic3A_80 : vector<4096x1xf32>
      %logistic3A_84 = arith.divf %logistic3A_82, %logistic3A_83 : vector<4096x1xf32>
      %swap3A_85 = arith.constant 0 : index
      %swap3A_86 = arith.constant 0 : index
      %swap3A_87 = vector.load %arg11[%swap3A_85, %swap3A_86] : memref<4096x1xf32, #tpu.memory_space<vmem>>, vector<4096x1xf32>
      tpu.vector_store %arg11[%swap3A_85, %swap3A_86], %logistic3A_84 {strides = array<i32>} : memref<4096x1xf32, #tpu.memory_space<vmem>>, vector<4096x1xf32>,
    } else {
    }
    return
  }
  func.func @transform_0(%arg0: i32) -> (i32, i32, i32) {
    %c0_i32 = arith.constant 0 : i32
    %c0_i32_0 = arith.constant 0 : i32
    %c0_i32_1 = arith.constant 0 : i32
    return %arg0, %c0_i32, %c0_i32_0 : i32, i32, i32
  }
  func.func @transform_1(%arg0: i32) -> (i32, i32, i32) {
    %c0_i32 = arith.constant 0 : i32
    %c0_i32_0 = arith.constant 0 : i32
    %c0_i32_1 = arith.constant 0 : i32
    return %arg0, %c0_i32, %c0_i32_0 : i32, i32, i32
  }
  func.func @transform_2(%arg0: i32) -> (i32, i32) {
    %c0_i32 = arith.constant 0 : i32
    %c0_i32_0 = arith.constant 0 : i32
    %c0_i32_1 = arith.constant 0 : i32
    return %c0_i32, %c0_i32_0 : i32, i32
  }
  func.func @transform_3(%arg0: i32) -> (i32, i32) {
    %c0_i32 = arith.constant 0 : i32
    %c0_i32_0 = arith.constant 0 : i32
    %c0_i32_1 = arith.constant 0 : i32
    return %c0_i32, %c0_i32_0 : i32, i32
  }
  func.func @transform_4(%arg0: i32) -> (i32, i32) {
    %c0_i32 = arith.constant 0 : i32
    %c0_i32_0 = arith.constant 0 : i32
    %c0_i32_1 = arith.constant 0 : i32
    return %c0_i32, %c0_i32_0 : i32, i32
  }
  func.func @transform_5(%arg0: i32) -> (i32, i32) {
    %c0_i32 = arith.constant 0 : i32
    %c0_i32_0 = arith.constant 0 : i32
    %c0_i32_1 = arith.constant 0 : i32
    return %c0_i32, %c0_i32_0 : i32, i32
  }
  func.func @transform_6(%arg0: i32) -> (i32, i32) {
    %c0_i32 = arith.constant 0 : i32
    %c0_i32_0 = arith.constant 0 : i32
    %c0_i32_1 = arith.constant 0 : i32
    return %c0_i32, %c0_i32_0 : i32, i32
  }
  func.func @transform_7(%arg0: i32) -> (i32, i32) {
    %c0_i32 = arith.constant 0 : i32
    %c0_i32_0 = arith.constant 0 : i32
    %c0_i32_1 = arith.constant 0 : i32
    return %c0_i32, %c0_i32_0 : i32, i32
  }
  func.func @transform_8(%arg0: i32) -> (i32, i32) {
    %c0_i32 = arith.constant 0 : i32
    %c0_i32_0 = arith.constant 0 : i32
    %c0_i32_1 = arith.constant 0 : i32
    return %c0_i32, %c0_i32_0 : i32, i32
  }
  func.func @transform_9(%arg0: i32) -> (i32, i32) {
    %c0_i32 = arith.constant 0 : i32
    %c0_i32_0 = arith.constant 0 : i32
    %c0_i32_1 = arith.constant 0 : i32
    return %c0_i32, %c0_i32_0 : i32, i32
  }
  func.func @transform_10(%arg0: i32) -> (i32, i32) {
    %c0_i32 = arith.constant 0 : i32
    %c0_i32_0 = arith.constant 0 : i32
    %c0_i32_1 = arith.constant 0 : i32
    return %c0_i32, %c0_i32_0 : i32, i32
  }
}

</mosaic_0001>

<sc_bundles>
// kernel: kernel.4.cloned.1.call-start
scs
__scs_entry_jumppad:
0x0: {  	(pc) =	sbr.rel $0x88, $3  }
0x1: {  	(tag) =	ssettag $0x0;
	lr =	simm.s32 $0x1  }
0x2: {  	[smem:$0x3F90] =	sst lr;
	_ =	strace $0xD0000000  }
0x3: {  	_ = 	snop  }
0x4: {  	_ = 	snop  }
0x5: {  	_ = 	snop  }
0x6: {  	_ = 	snop  }
0x7: {  	_ = 	snop  }
__scs_overlays_trampoline_lowered:
0x8: {  	[smem:$0x3F9F] =	sst s0  }
0x9: {  	[smem:$0x3FA0] =	sst s1  }
0xa: {  	[smem:$0x3FA1] =	sst s2  }
0xb: {  	[smem:$0x3FA2] =	sst s3  }
0xc: {  	[smem:$0x3FA3] =	sst s4  }
0xd: {  	[smem:$0x3FA4] =	sst s5  }
0xe: {  	[smem:$0x3FA5] =	sst s6  }
0xf: {  	[smem:$0x3FA6] =	sst s7  }
0x10: {  	[smem:$0x3FA7] =	sst s8  }
0x11: {  	[smem:$0x3FA8] =	sst s9;
	s0 =	simm.s32 @!p0 $0x0  }
0x12: {  	s1 =	sld [smem:$0x3F8E];
	s0 =	simm.s32 @p0 $0x1  }
0x13: {  	[smem:$0x3FA9] =	sst s0;
	s0 =	simm.s32 @!p1 $0x0  }
0x14: {  	s2 =	sld [smem:$0x3F8D];
	s0 =	simm.s32 @p1 $0x1  }
0x15: {  	[smem:$0x3FAA] =	sst s0;
	s0 =	simm.s32 @!p2 $0x0  }
0x16: {  	s3 =	sld [smem:$0x3FDB];
	s0 =	simm.s32 @p2 $0x1  }
0x17: {  	s4 =	simm.s32 $0x1BF5;
	[smem:$0x3FAC] =	sst s0  }
0x18: {  	s0 =	sld [smem:$0x3F8F];
	_ =	swait.ge [sflag:s4], $0x0  }
0x19: {  	s7 =	sld [smem:$0x3F90]  }
0x1a: {  	s8 =	sadd.s32 $0xFFFFE003, lr  }
0x1b: {  	s9 =	sadd.s32 $0xFFFFFEF7, lr;
	s5 =	simm.s32 $0xFFFFFFFF;
	p2 =	slt.u32 s8, $0xFFFFF086  }
0x1c: {  	p1 =	slt.u32 s9, $0xF7A;
	s5 =	simm.s32 @!p2 $0x0  }
0x1d: {  	s5 =	simm.s32 @p1 $0x1;
	p0 =	seq.s32 s7, s2  }
0x1e: {  	s7 =	smul.u32 @!p0 $0xF7A, s2;
	p2 =	seq.s32 @!p0 s5, $0x0  }
0x1f: {  	s9 =	smul.u32 $0xF7A, s1;
	s8 =	simm.s32 @!p0 $0x1BF5;
	p2 =	por !p2, p0  }
0x20: {  	[sflag:s8] =	ssyncset.s32 @!p0 $0xFFFFF086;
	s6 =	sadd.s32 @!p0 s3, s7;
	s7 =	simm.s32 @!p0 $0x108  }
0x21: {  	s3 =	sadd.s32 s3, s9;
	s6 =	sadd.s32 @!p0 $0x88, s6;
	s7 =	simm.s32 @p2 $0x1082  }
0x22: {  	[simem:s7], [sflag:s8] =	dma.local @!p0 [hbm:s6], $0xF7A  }
0x23: {  	s9 =	sor.u32 $0xD0000000, s2;
	s6 =	simm.s32 $0x108;
	_ =	swait.ge @!p0 [sflag:s8], $0x0  }
0x24: {  	s3 =	sadd.s32 $0x88, s3;
	s6 =	simm.s32 @!p1 $0x1082;
	[sflag:s4] =	ssyncset.s32 $0xFFFFF086  }
0x25: {  	[simem:s6], [sflag:s4] =	dma.local [hbm:s3], $0xF7A  }
0x26: {  	[smem:$0x3F90] =	sst s1;
	(tag) =	ssettag s2;
	_ =	strace s9  }
0x27: {  	s1 =	sld [smem:$0x3FA0]  }
0x28: {  	s2 =	sld [smem:$0x3FA1]  }
0x29: {  	s4 =	sld [smem:$0x3FA3]  }
0x2a: {  	p0 =	seq.s32 s5, $0x0;
	s5 =	sld [smem:$0x3FA4]  }
0x2b: {  	s6 =	sld [smem:$0x3FA5]  }
0x2c: {  	s7 =	sld [smem:$0x3FA6]  }
0x2d: {  	s3 =	simm.s32 $0x108;
	s8 =	sld [smem:$0x3FA7]  }
0x2e: {  	s3 =	simm.s32 @!p0 $0x1082;
	s9 =	sld [smem:$0x3FA8]  }
0x2f: {  	lr =	sadd.s32 s0, s3;
	s0 =	sld [smem:$0x3F9F]  }
0x30: {  	s3 =	sld [smem:$0x3FA2]  }
0x31: {  	[smem:$0x3FAB] =	sst s10  }
0x32: {  	s10 =	sld [smem:$0x3FA9];
	_ =	sdelay $0x3  }
0x33: {  	p0 =	seq.s32 s10, $0x1;
	s10 =	sld [smem:$0x3FAB];
	_ =	sdelay $0x3  }
0x34: {  	[smem:$0x3FAB] =	sst s10  }
0x35: {  	s10 =	sld [smem:$0x3FAA];
	_ =	sdelay $0x3  }
0x36: {  	p1 =	seq.s32 s10, $0x1;
	s10 =	sld [smem:$0x3FAB];
	_ =	sdelay $0x3  }
0x37: {  	[smem:$0x3FAB] =	sst s10  }
0x38: {  	s10 =	sld [smem:$0x3FAC]  }
0x39: {  	_ = 	snop;
	(pc) =	sbr.ind lr, $3  }
0x3a: {  	_ = 	snop  }
0x3b: {  	_ = 	snop  }
0x3c: {  	p2 =	seq.s32 s10, $0x1;
	s10 =	sld [smem:$0x3FAB]  }
0x3d: {  	_ =	shalt  }
0x3e: {  	_ =	shalt  }
0x3f: {  	_ =	shalt  }
0x40: {  	_ =	shalt  }
0x41: {  	_ =	shalt  }
0x42: {  	_ =	shalt  }
0x43: {  	_ =	shalt  }
0x44: {  	_ =	shalt  }
0x45: {  	_ =	shalt  }
0x46: {  	_ =	shalt  }
0x47: {  	_ =	shalt  }
0x48: {  	_ =	shalt  }
0x49: {  	_ =	shalt  }
0x4a: {  	_ =	shalt  }
0x4b: {  	_ =	shalt  }
0x4c: {  	_ =	shalt  }
0x4d: {  	_ =	shalt  }
0x4e: {  	_ =	shalt  }
0x4f: {  	_ =	shalt  }
0x50: {  	_ =	shalt  }
0x51: {  	_ =	shalt  }
0x52: {  	_ =	shalt  }
0x53: {  	_ =	shalt  }
0x54: {  	_ =	shalt  }
0x55: {  	_ =	shalt  }
0x56: {  	_ =	shalt  }
0x57: {  	_ =	shalt  }
0x58: {  	_ =	shalt  }
0x59: {  	_ =	shalt  }
0x5a: {  	_ =	shalt  }
0x5b: {  	_ =	shalt  }
0x5c: {  	_ =	shalt  }
0x5d: {  	_ =	shalt  }
0x5e: {  	_ =	shalt  }
0x5f: {  	_ =	shalt  }
0x60: {  	_ =	shalt  }
0x61: {  	_ =	shalt  }
0x62: {  	_ =	shalt  }
0x63: {  	_ =	shalt  }
0x64: {  	_ =	shalt  }
0x65: {  	_ =	shalt  }
0x66: {  	_ =	shalt  }
0x67: {  	_ =	shalt  }
0x68: {  	_ =	shalt  }
0x69: {  	_ =	shalt  }
0x6a: {  	_ =	shalt  }
0x6b: {  	_ =	shalt  }
0x6c: {  	_ =	shalt  }
0x6d: {  	_ =	shalt  }
0x6e: {  	_ =	shalt  }
0x6f: {  	_ =	shalt  }
0x70: {  	_ =	shalt  }
0x71: {  	_ =	shalt  }
0x72: {  	_ =	shalt  }
0x73: {  	_ =	shalt  }
0x74: {  	_ =	shalt  }
0x75: {  	_ =	shalt  }
0x76: {  	_ =	shalt  }
0x77: {  	_ =	shalt  }
0x78: {  	_ =	shalt  }
0x79: {  	_ =	shalt  }
0x7a: {  	_ =	shalt  }
0x7b: {  	_ =	shalt  }
0x7c: {  	_ =	shalt  }
0x7d: {  	_ =	shalt  }
0x7e: {  	_ =	shalt  }
0x7f: {  	_ =	shalt  }
0x80: {  	_ =	shalt  }
0x81: {  	_ =	shalt  }
0x82: {  	_ =	shalt  }
0x83: {  	_ =	shalt  }
0x84: {  	_ =	shalt  }
0x85: {  	_ =	shalt  }
0x86: {  	_ =	shalt  }
0x87: {  	_ =	shalt  }
.Lfunc_end0:
.L_simem_size_0:
called_computation_lowered:
.L_overlay_start_0:
0x88: {  	s2 =	sld [smem:$0x3FD9]  }
0x89: {  	s3 =	sld [smem:$0x3FFE];
	_ =	sdelay $0x1  }
0x8a: {  	s1 =	srdreg.scid  }
0x8b: {  	s0 =	sand.u32 $0x1, s1  }
0x8c: {  	s16 =	sshll.u32 s0, $0xA;
	s2 =	sadd.s32 s3, s2  }
0x8d: {  	s2 =	sadd.s32 s2, s16  }
0x8e: {  	[smem:$0x3FB7] =	sst s2  }
0x8f: {  	_ = 	snop  }
0x90: {  	(tm) =	ssettm $0x1  }
0x91: {  	s17 =	sld [smem:$0x3FFB];
	_ =	sdelay $0x3  }
0x92: {  	_ =	strace s17  }
0x93: {  	s2 =	sld [smem:$0x3FFC];
	_ =	sdelay $0x3  }
0x94: {  	_ =	strace s2  }
0x95: {  	s2 =	sld [smem:$0x3FFD];
	_ =	sdelay $0x3  }
0x96: {  	_ =	strace s2  }
0x97: {  	_ =	strace $0x8FFFFFFF  }
0x98: {  	s18 =	sld [smem:$0x3FDB];
	_ =	sdelay $0x1  }
0x99: {  	s19 =	simm.s32 $_scs_section_size  }
0x9a: {  	s4 =	simm.s32 $_size__tile_overlayer_lowered;
	s5 =	simm.s32 $_tile_overlayer_lowered  }
0x9b: {  	s22 =	simm.s32 $0x1BFF;
	s21 =	sshll.u32 s5, $0x1;
	s2 =	sadd.s32 s19, s18  }
0x9c: {  	s6 =	simm.s32 $0x0;
	s20 =	sshll.u32 s4, $0x1;
	s4 =	sadd.s32 s21, s2  }
0x9d: {  	[timem:s6], [sflag:s22] =	dma.local [hbm:s4], s20  }
0x9e: {  	_ =	swait.ge [sflag:s22], s20  }
0x9f: {  	s3 =	ssub.s32 $0x0, s20;
	[sflag:s22] =	ssyncset.done $0x0  }
0xa0: {  	[sflag:s22] =	ssyncadd.s32 s3;
	_ =	sdelay $0x1  }
0xa1: {  	s23 =	simm.s32 $0x1B8B  }
0xa2: {  	_ =	swait.ge [sflag:s23], $0x1  }
0xa3: {  	[sflag:s23] =	ssyncset.done $0x0  }
0xa4: {  	s25 =	simm.s32 $0x1B8E;
	s24 =	sld [smem:$0x3FFE];
	[sflag:s23] =	ssyncadd.s32 $0xFFFFFFFF  }
0xa5: {  	s26 =	simm.s32 $execute0_lowered;
	[smem:$0x3FD2] =	sst s25  }
0xa6: {  	s4 =	sshll.u32 s26, $0x1;
	_ =	strace $0x80000046;
	[dreg:$0x1] =	wrdreg $0xFFFFFFFF  }
0xa7: {  	s28 =	simm.s32 $_size_execute0_lowered;
	s2 =	sadd.s32 s2, s4;
	[dreg:$0x0] =	wrdreg $0x0  }
0xa8: {  	s4 =	sshll.u32 s28, $0x1;
	[dreg:$0x2] =	wrdreg s2  }
0xa9: {  	[dreg:$0x3] =	wrdreg s4  }
0xaa: {  	[dreg:$0x4] =	wrdreg $0xC0  }
0xab: {  	_ =	task [dreg:s6], $0x5FFFF  }
0xac: {  	[dreg:$0x1] =	wrdreg $0xFFFFFFFF  }
0xad: {  	[dreg:$0x0] =	wrdreg $0x60  }
0xae: {  	[dreg:$0x2] =	wrdreg s24  }
0xaf: {  	[dreg:$0x3] =	wrdreg $0x9  }
0xb0: {  	_ =	task.clear_ibuf [dreg:s6], $0x4FFFF;
	_ =	strace $0x90000046  }
0xb1: {  	s29 =	simm.s32 $0x9;
	_ =	strace $0x80000048  }
0xb2: {  	_ =	swait.ge [sflag:s29], $0x1  }
0xb3: {  	[sflag:s29] =	ssyncadd.s32 $0xFFFFFFFF  }
0xb4: {  	_ =	strace $0x90000048  }
0xb5: {  	_ =	sfence  }
0xb6: {  	s30 =	sld [smem:$0x0];
	_ =	sdelay $0x2  }
0xb7: {  	s31 =	sshll.u32 s1, $0xD;
	s1 =	sshrl.u32 s1, $0x2  }
0xb8: {  	s3 =	sand.u32 $0x4000, s31;
	s1 =	sadd.s32 s1, s30  }
0xb9: {  	s0 =	sor.u32 s3, s0;
	s1 =	sshll.u32 s1, $0x11  }
0xba: {  	s0 =	sor.u32 s1, s0  }
0xbb: {  	s0 =	sadd.s32 $0x8F2B, s0  }
0xbc: {  	[sflag:s0] =	ssyncadd.remote.s32 $0x1  }
0xbd: {  	_ =	sfence.sel $0xFFFF  }
0xbe: {  	[dreg:$0x0] =	wrdreg $0xFFFFFFFF;
	(pc) =	sbr.abs _section_cstart, $3  }
0xbf: {  	[dreg:$0x1] =	wrdreg $0xFFFFFFFF  }
0xc0: {  	_ =	task.clear_ibuf [dreg:s6], $0x2FFFF;
	_ =	strace $0x9FFFFFFF  }
0xc1: {  	(tm) =	ssettm $0x7FFFFFFF  }
tec
execute0_lowered:
.L_overlay_start_1:
0x0: {  	(tag) =	ssettag $0x1  }
0x1: {  	s0 =	rddreg [dreg:$0x0];
	s2 =	simm.s32 $0x0  }
0x2: {  	s3 =	srdreg.scid;
	s1 =	stileid.u32;
	s15 =	simm.s32 $0x2  }
0x3: {  	s17 =	simm.s32 $0x3200;
	s18 =	simm.s32 $0x4B00;
	s19 =	simm.s32 $0x80  }
0x4: {  	s20 =	simm.s32 $0x7D00;
	s21 =	simm.s32 $0x8500;
	s22 =	simm.s32 $0x8D00  }
0x5: {  	s23 =	simm.s32 $0x9500;
	s24 =	simm.s32 $0x9D00;
	s25 =	simm.s32 $0x1  }
0x6: {  	s26 =	simm.s32 $0x10;
	s28 =	simm.s32 $0x50;
	s29 =	simm.s32 $0x0  }
0x7: {  	[smem:$0x7FF] =	sst s2;
	s9 =	sand.u32 $0x1, s3;
	s30 =	sshll.u32 s1, $0x1  }
0x8: {  	s3 =	sadd.s32 $0x3800, s0;
	s10 =	smul.u32 $0x1F400, s1;
	s5 =	sor.u32 s9, s30  }
0x9: {  	s4 =	sadd.s32 $0x2000, s0;
	s6 =	sadd.s32 $0x2800, s0;
	s8 =	smul.u32 $0x1900, s5  }
0xa: {  	s7 =	sadd.s32 $0x1800, s0;
	_ =	strace $0x80000047;
	s11 =	ssub.s32 $0x2, s9  }
0xb: {  	s14 =	smul.u32 $0xFA00, s9;
	s31 =	sshrl.u32 s11, $0x1;
	s8 =	sshrl.u32 s8, $0x3  }
0xc: {  	s5 =	sadd.s32 $0x3000, s0;
	s13 =	ssub.s32 s11, s31;
	s12 =	sadd.s32 s8, s0  }
0xd: {  	s13 =	smax.u32 s13, $0x1;
	s0 =	sadd.s32 s10, s0;
	s8 =	sadd.s32 $0x1D000, s12  }
0xe: {  	s9 =	sadd.s32 $0x16C00, s12;
	s10 =	sadd.s32 $0x10800, s12;
	s0 =	sadd.s32 s14, s0  }
0xf: {  	s11 =	sadd.s32 $0xA400, s12;
	s12 =	sadd.s32 $0x4000, s12;
	s14 =	sadd.s32 $0x23400, s0  }
.LBB2_1:
0x10: {  	[tilespmem:s2], [sflag:$0x2] =	stream.linear.gather [hbm4b:s8+s2], $0x1900, $0x38;
	[tilespmem:$0xA500] =	vst v63  }
0x11: {  	_ =	swait.ge [sflag:s15], $0x1900  }
0x12: {  	[sflag:s15] =	ssyncset.done $0x0  }
0x13: {  	s0 =	simm.s32 $0x1900;
	[sflag:s15] =	ssyncadd.s32 $0xFFFFE700  }
0x14: {  	[tilespmem:s0], [sflag:$0x2] =	stream.linear.gather [hbm4b:s9+s2], $0x1900, $0x38;
	[tilespmem:$0xA500] =	vst v63  }
0x15: {  	_ =	swait.ge [sflag:s15], $0x1900  }
0x16: {  	[sflag:s15] =	ssyncset.done $0x0  }
0x17: {  	[sflag:s15] =	ssyncadd.s32 $0xFFFFE700  }
0x18: {  	[tilespmem:s17], [sflag:$0x2] =	stream.linear.gather [hbm4b:s10+s2], $0x1900, $0x38;
	[tilespmem:$0xA500] =	vst v63  }
0x19: {  	_ =	swait.ge [sflag:s15], $0x1900  }
0x1a: {  	[sflag:s15] =	ssyncset.done $0x0  }
0x1b: {  	[sflag:s15] =	ssyncadd.s32 $0xFFFFE700  }
0x1c: {  	[tilespmem:s18], [sflag:$0x2] =	stream.linear.gather [hbm4b:s11+s2], $0x1900, $0x38;
	[tilespmem:$0xA500] =	vst v63  }
0x1d: {  	_ =	swait.ge [sflag:s15], $0x1900  }
0x1e: {  	[sflag:s15] =	ssyncset.done $0x0  }
0x1f: {  	s1 =	simm.s32 $0x6400;
	[sflag:s15] =	ssyncadd.s32 $0xFFFFE700  }
0x20: {  	[tilespmem:s1], [sflag:$0x2] =	stream.linear.gather [hbm4b:s12+s2], $0x1900, $0x38;
	[tilespmem:$0xA500] =	vst v63  }
0x21: {  	_ =	swait.ge [sflag:s15], $0x1900  }
0x22: {  	[sflag:s15] =	ssyncset.done $0x0  }
0x23: {  	s30 =	simm.s32 $0x0;
	[sflag:s15] =	ssyncadd.s32 $0xFFFFE700  }
0x24: {  	[tilespmem:s20], [sflag:$0x1] =	stream.indirect.gather [hbm4b:s3+s19], $0x10, s30, s19, $0xb8;
	[tilespmem:$0xA500] =	vst v63  }
0x25: {  	s30 =	simm.s32 $0x1900  }
0x26: {  	[tilespmem:s21], [sflag:$0x1] =	stream.indirect.gather [hbm4b:s4+s19], $0x10, s30, s19, $0xb8;
	[tilespmem:$0xA500] =	vst v63  }
0x27: {  	s30 =	simm.s32 $0x3200  }
0x28: {  	[tilespmem:s22], [sflag:$0x1] =	stream.indirect.gather [hbm4b:s5+s19], $0x10, s30, s19, $0xb8;
	[tilespmem:$0xA500] =	vst v63  }
0x29: {  	s30 =	simm.s32 $0x4B00  }
0x2a: {  	[tilespmem:s23], [sflag:$0x1] =	stream.indirect.gather [hbm4b:s6+s19], $0x10, s30, s19, $0xb8;
	[tilespmem:$0xA500] =	vst v63  }
0x2b: {  	_ = 	snop  }
0x2c: {  	[tilespmem:s24], [sflag:$0x1] =	stream.indirect.gather [hbm4b:s7+s19], $0x10, s1, s19, $0xb8;
	[tilespmem:$0xA500] =	vst v63  }
0x2d: {  	_ =	swait.ge [sflag:s25], $0x800  }
0x2e: {  	[sflag:s25] =	ssyncset.done $0x0  }
0x2f: {  	[sflag:s25] =	ssyncadd.s32 $0xFFFFF800  }
0x30: {  	_ =	swait.ge [sflag:s25], $0x800  }
0x31: {  	[sflag:s25] =	ssyncset.done $0x0  }
0x32: {  	[sflag:s25] =	ssyncadd.s32 $0xFFFFF800  }
0x33: {  	_ =	swait.ge [sflag:s25], $0x800  }
0x34: {  	[sflag:s25] =	ssyncset.done $0x0  }
0x35: {  	[sflag:s25] =	ssyncadd.s32 $0xFFFFF800  }
0x36: {  	_ =	swait.ge [sflag:s25], $0x800  }
0x37: {  	[sflag:s25] =	ssyncset.done $0x0  }
0x38: {  	[sflag:s25] =	ssyncadd.s32 $0xFFFFF800  }
0x39: {  	_ =	swait.ge [sflag:s25], $0x800  }
0x3a: {  	[sflag:s25] =	ssyncset.done $0x0  }
0x3b: {  	s16 =	sadd.s32 $0x0, s14;
	[sflag:s25] =	ssyncadd.s32 $0xFFFFF800  }
0x3c: {  	[hbm4b:s16+s26] =	stream.strided.scatter [tilespmem:s20], [sflag:$0x2], $0x800, s28, s26, $0x38;
	[tilespmem:$0xA500] =	vst v63  }
0x3d: {  	_ =	swait.ge [sflag:s15], $0x800  }
0x3e: {  	[sflag:s15] =	ssyncset.done $0x0  }
0x3f: {  	s30 =	sadd.s32 $0x2, s16;
	[sflag:s15] =	ssyncadd.s32 $0xFFFFF800  }
0x40: {  	[hbm4b:s30+s26] =	stream.strided.scatter [tilespmem:s21], [sflag:$0x2], $0x800, s28, s26, $0x38;
	[tilespmem:$0xA500] =	vst v63  }
0x41: {  	_ =	swait.ge [sflag:s15], $0x800  }
0x42: {  	[sflag:s15] =	ssyncset.done $0x0  }
0x43: {  	s30 =	sadd.s32 $0x4, s16;
	[sflag:s15] =	ssyncadd.s32 $0xFFFFF800  }
0x44: {  	[hbm4b:s30+s26] =	stream.strided.scatter [tilespmem:s22], [sflag:$0x2], $0x800, s28, s26, $0x38;
	[tilespmem:$0xA500] =	vst v63  }
0x45: {  	_ =	swait.ge [sflag:s15], $0x800  }
0x46: {  	[sflag:s15] =	ssyncset.done $0x0  }
0x47: {  	s30 =	sadd.s32 $0x6, s16;
	[sflag:s15] =	ssyncadd.s32 $0xFFFFF800  }
0x48: {  	[hbm4b:s30+s26] =	stream.strided.scatter [tilespmem:s23], [sflag:$0x2], $0x800, s28, s26, $0x38;
	[tilespmem:$0xA500] =	vst v63  }
0x49: {  	_ =	swait.ge [sflag:s15], $0x800  }
0x4a: {  	[sflag:s15] =	ssyncset.done $0x0  }
0x4b: {  	s0 =	sadd.s32 $0x8, s16;
	[sflag:s15] =	ssyncadd.s32 $0xFFFFF800  }
0x4c: {  	[hbm4b:s0+s26] =	stream.strided.scatter [tilespmem:s24], [sflag:$0x2], $0x800, s28, s26, $0x38;
	[tilespmem:$0xA500] =	vst v63  }
0x4d: {  	s31 =	simm.s32 $0x6480;
	_ =	swait.ge [sflag:s15], $0x800  }
0x4e: {  	s30 =	simm.s32 $0x500;
	s0 =	simm.s32 $0xA00;
	[sflag:s15] =	ssyncset.done $0x0  }
.LBB2_2:
0x4f: {  	p0 =	sne.s32 s0, $0xF500;
	s1 =	sadd.s32 $0xFFFF9C00, s31;
	[sflag:s15] =	ssyncadd.s32 $0xFFFFF800  }
0x50: {  	[tilespmem:s20], [sflag:$0x1] =	stream.indirect.gather [hbm4b:s3+s19], $0x10, s1, s19, $0xb8;
	[tilespmem:$0xA500] =	vst v63  }
0x51: {  	s16 =	smov.u32 s0;
	s0 =	sadd.s32 $0x500, s0;
	s1 =	sadd.s32 $0xFFFFB500, s31  }
0x52: {  	[tilespmem:s21], [sflag:$0x1] =	stream.indirect.gather [hbm4b:s4+s19], $0x10, s1, s19, $0xb8;
	[tilespmem:$0xA500] =	vst v63  }
0x53: {  	s1 =	sadd.s32 $0xFFFFCE00, s31  }
0x54: {  	[tilespmem:s22], [sflag:$0x1] =	stream.indirect.gather [hbm4b:s5+s19], $0x10, s1, s19, $0xb8;
	[tilespmem:$0xA500] =	vst v63  }
0x55: {  	s1 =	sadd.s32 $0xFFFFE700, s31  }
0x56: {  	[tilespmem:s23], [sflag:$0x1] =	stream.indirect.gather [hbm4b:s6+s19], $0x10, s1, s19, $0xb8;
	[tilespmem:$0xA500] =	vst v63  }
0x57: {  	_ = 	snop  }
0x58: {  	[tilespmem:s24], [sflag:$0x1] =	stream.indirect.gather [hbm4b:s7+s19], $0x10, s31, s19, $0xb8;
	[tilespmem:$0xA500] =	vst v63  }
0x59: {  	_ =	swait.ge [sflag:s25], $0x800  }
0x5a: {  	[sflag:s25] =	ssyncset.done $0x0  }
0x5b: {  	[sflag:s25] =	ssyncadd.s32 $0xFFFFF800  }
0x5c: {  	_ =	swait.ge [sflag:s25], $0x800  }
0x5d: {  	[sflag:s25] =	ssyncset.done $0x0  }
0x5e: {  	[sflag:s25] =	ssyncadd.s32 $0xFFFFF800  }
0x5f: {  	_ =	swait.ge [sflag:s25], $0x800  }
0x60: {  	[sflag:s25] =	ssyncset.done $0x0  }
0x61: {  	[sflag:s25] =	ssyncadd.s32 $0xFFFFF800  }
0x62: {  	_ =	swait.ge [sflag:s25], $0x800  }
0x63: {  	[sflag:s25] =	ssyncset.done $0x0  }
0x64: {  	[sflag:s25] =	ssyncadd.s32 $0xFFFFF800  }
0x65: {  	_ =	swait.ge [sflag:s25], $0x800  }
0x66: {  	[sflag:s25] =	ssyncset.done $0x0  }
0x67: {  	s1 =	sadd.s32 s30, s14;
	s30 =	smov.u32 s16;
	[sflag:s25] =	ssyncadd.s32 $0xFFFFF800  }
0x68: {  	[hbm4b:s1+s26] =	stream.strided.scatter [tilespmem:s20], [sflag:$0x2], $0x800, s28, s26, $0x38;
	[tilespmem:$0xA500] =	vst v63  }
0x69: {  	_ =	swait.ge [sflag:s15], $0x800  }
0x6a: {  	[sflag:s15] =	ssyncset.done $0x0  }
0x6b: {  	s16 =	sadd.s32 $0x2, s1;
	[sflag:s15] =	ssyncadd.s32 $0xFFFFF800  }
0x6c: {  	[hbm4b:s16+s26] =	stream.strided.scatter [tilespmem:s21], [sflag:$0x2], $0x800, s28, s26, $0x38;
	[tilespmem:$0xA500] =	vst v63  }
0x6d: {  	_ =	swait.ge [sflag:s15], $0x800  }
0x6e: {  	[sflag:s15] =	ssyncset.done $0x0  }
0x6f: {  	s16 =	sadd.s32 $0x4, s1;
	[sflag:s15] =	ssyncadd.s32 $0xFFFFF800  }
0x70: {  	[hbm4b:s16+s26] =	stream.strided.scatter [tilespmem:s22], [sflag:$0x2], $0x800, s28, s26, $0x38;
	[tilespmem:$0xA500] =	vst v63  }
0x71: {  	_ =	swait.ge [sflag:s15], $0x800  }
0x72: {  	[sflag:s15] =	ssyncset.done $0x0  }
0x73: {  	s16 =	sadd.s32 $0x6, s1;
	[sflag:s15] =	ssyncadd.s32 $0xFFFFF800  }
0x74: {  	[hbm4b:s16+s26] =	stream.strided.scatter [tilespmem:s23], [sflag:$0x2], $0x800, s28, s26, $0x38;
	[tilespmem:$0xA500] =	vst v63  }
0x75: {  	_ =	swait.ge [sflag:s15], $0x800  }
.Ltmp0:
0x76: {  	[sflag:s15] =	ssyncset.done $0x0;
	(pc) =	sbr.rel @p0 .LBB2_2-.Ltmp0, $4  }
0x77: {  	s1 =	sadd.s32 $0x8, s1;
	[sflag:s15] =	ssyncadd.s32 $0xFFFFF800  }
0x78: {  	[hbm4b:s1+s26] =	stream.strided.scatter [tilespmem:s24], [sflag:$0x2], $0x800, s28, s26, $0x38;
	[tilespmem:$0xA500] =	vst v63  }
0x79: {  	_ =	swait.ge [sflag:s15], $0x800  }
0x7a: {  	s31 =	sadd.s32 $0x80, s31;
	[sflag:s15] =	ssyncset.done $0x0  }
0x7b: {  	s0 =	sadd.s32 $0xFFFF9C00, s31;
	[sflag:s15] =	ssyncadd.s32 $0xFFFFF800  }
0x7c: {  	[tilespmem:s20], [sflag:$0x1] =	stream.indirect.gather [hbm4b:s3+s19], $0x10, s0, s19, $0xb8;
	[tilespmem:$0xA500] =	vst v63  }
0x7d: {  	s1 =	sadd.s32 $0xFFFFB500, s31  }
0x7e: {  	[tilespmem:s21], [sflag:$0x1] =	stream.indirect.gather [hbm4b:s4+s19], $0x10, s1, s19, $0xb8;
	[tilespmem:$0xA500] =	vst v63  }
0x7f: {  	s16 =	sadd.s32 $0xFFFFCE00, s31  }
0x80: {  	[tilespmem:s22], [sflag:$0x1] =	stream.indirect.gather [hbm4b:s5+s19], $0x10, s16, s19, $0xb8;
	[tilespmem:$0xA500] =	vst v63  }
0x81: {  	s1 =	sadd.s32 $0xFFFFE700, s31  }
0x82: {  	[tilespmem:s23], [sflag:$0x1] =	stream.indirect.gather [hbm4b:s6+s19], $0x10, s1, s19, $0xb8;
	[tilespmem:$0xA500] =	vst v63  }
0x83: {  	_ = 	snop  }
0x84: {  	[tilespmem:s24], [sflag:$0x1] =	stream.indirect.gather [hbm4b:s7+s19], $0x10, s31, s19, $0xb8;
	[tilespmem:$0xA500] =	vst v63  }
0x85: {  	_ =	swait.ge [sflag:s25], $0x800  }
0x86: {  	[sflag:s25] =	ssyncset.done $0x0  }
0x87: {  	[sflag:s25] =	ssyncadd.s32 $0xFFFFF800  }
0x88: {  	_ =	swait.ge [sflag:s25], $0x800  }
0x89: {  	[sflag:s25] =	ssyncset.done $0x0  }
0x8a: {  	[sflag:s25] =	ssyncadd.s32 $0xFFFFF800  }
0x8b: {  	_ =	swait.ge [sflag:s25], $0x800  }
0x8c: {  	[sflag:s25] =	ssyncset.done $0x0  }
0x8d: {  	[sflag:s25] =	ssyncadd.s32 $0xFFFFF800  }
0x8e: {  	_ =	swait.ge [sflag:s25], $0x800  }
0x8f: {  	[sflag:s25] =	ssyncset.done $0x0  }
0x90: {  	[sflag:s25] =	ssyncadd.s32 $0xFFFFF800  }
0x91: {  	_ =	swait.ge [sflag:s25], $0x800  }
0x92: {  	[sflag:s25] =	ssyncset.done $0x0  }
0x93: {  	s16 =	sadd.s32 s30, s14;
	[sflag:s25] =	ssyncadd.s32 $0xFFFFF800  }
0x94: {  	[hbm4b:s16+s26] =	stream.strided.scatter [tilespmem:s20], [sflag:$0x2], $0x800, s28, s26, $0x38;
	[tilespmem:$0xA500] =	vst v63  }
0x95: {  	_ =	swait.ge [sflag:s15], $0x800  }
0x96: {  	[sflag:s15] =	ssyncset.done $0x0  }
0x97: {  	s1 =	sadd.s32 $0x2, s16;
	[sflag:s15] =	ssyncadd.s32 $0xFFFFF800  }
0x98: {  	[hbm4b:s1+s26] =	stream.strided.scatter [tilespmem:s21], [sflag:$0x2], $0x800, s28, s26, $0x38;
	[tilespmem:$0xA500] =	vst v63  }
0x99: {  	_ =	swait.ge [sflag:s15], $0x800  }
0x9a: {  	[sflag:s15] =	ssyncset.done $0x0  }
0x9b: {  	s30 =	sadd.s32 $0x4, s16;
	[sflag:s15] =	ssyncadd.s32 $0xFFFFF800  }
0x9c: {  	[hbm4b:s30+s26] =	stream.strided.scatter [tilespmem:s22], [sflag:$0x2], $0x800, s28, s26, $0x38;
	[tilespmem:$0xA500] =	vst v63  }
0x9d: {  	_ =	swait.ge [sflag:s15], $0x800  }
0x9e: {  	[sflag:s15] =	ssyncset.done $0x0  }
0x9f: {  	s31 =	sadd.s32 $0x6, s16;
	[sflag:s15] =	ssyncadd.s32 $0xFFFFF800  }
0xa0: {  	[hbm4b:s31+s26] =	stream.strided.scatter [tilespmem:s23], [sflag:$0x2], $0x800, s28, s26, $0x38;
	[tilespmem:$0xA500] =	vst v63  }
0xa1: {  	s29 =	sadd.s32 $0x1, s29;
	_ =	swait.ge [sflag:s15], $0x800  }
0xa2: {  	p0 =	sne.s32 s29, s13;
	[sflag:s15] =	ssyncset.done $0x0  }
.Ltmp1:
0xa3: {  	s0 =	sadd.s32 $0x8, s16;
	[sflag:s15] =	ssyncadd.s32 $0xFFFFF800;
	(pc) =	sbr.rel @p0 .LBB2_1-.Ltmp1, $4  }
0xa4: {  	[hbm4b:s0+s26] =	stream.strided.scatter [tilespmem:s24], [sflag:$0x2], $0x800, s28, s26, $0x38;
	[tilespmem:$0xA500] =	vst v63  }
0xa5: {  	_ =	swait.ge [sflag:s15], $0x800  }
0xa6: {  	[sflag:s15] =	ssyncset.done $0x0  }
0xa7: {  	[sflag:s15] =	ssyncadd.s32 $0xFFFFF800  }
0xa8: {  	_ =	sfence.sel $0x180000  }
0xa9: {  	[bflag:$0x0] =	sbarrier.arrive $0xFFFF  }
0xaa: {  	_ =	strace $0x90000047  }
0xab: {  	s0 =	stileid.u32;
	[bflag:$0x2] =	sbarrier.arrive $0xFFFF  }
0xac: {  	p0 =	sne.s32 s0, $0x0;
	s0 =	rddreg [dreg:$0x1]  }
0xad: {  	s0 =	sadd.s32 @!p0 $0x100000, s0  }
0xae: {  	[sflag:s0] =	ssyncadd.tile.s32 @!p0 $0x1;
	_ =	shalt  }
.Lfunc_end2:
_tile_overlayer_lowered:
.L_overlay_start_2:
0xaf: {  	(tag) =	ssettag $0x2  }
0xb0: {  	s0 =	rddreg [dreg:$0x0];
	s2 =	stileid.u32  }
0xb1: {  	s1 =	rddreg [dreg:$0x1];
	p0 =	sne.s32 s2, $0x0  }
0xb2: {  	s3 =	rddreg [dreg:$0x2];
	[bflag:$0x3] =	sbarrier.arrive $0xFFFF;
	s2 =	simm.s32 @!p0 $0x1C02  }
0xb3: {  	[timem:s3], [sflag:s2] =	dma.local @!p0 [hbm:s0], s1  }
0xb4: {  	s0 =	simm.s32 @!p0 $0x2  }
0xb5: {  	_ =	swait.ge @!p0 [sflag:s0], s1  }
0xb6: {  	s1 =	ssub.s32 @!p0 $0x0, s1;
	[sflag:s0] =	ssyncset.done @!p0 $0x0  }
0xb7: {  	[sflag:s0] =	ssyncadd.s32 @!p0 s1  }
0xb8: {  	[bflag:$0x3] =	sbarrier.arrive $0xFFFF  }
0xb9: {  	_ =	shalt  }

</sc_bundles>
